<compile_context>
chip_gen: v7x
topology: tpu7x:2x2x1
jax: 0.10.2.dev20260603
libtpu: 0.0.44.dev20260713+nightly
codegen_flags: <defaults>
</compile_context>

<pallas_src>
import functools

import jax
import jax.numpy as jnp
from jax import lax
from jax.experimental import pallas as pl
from jax.experimental.pallas import tpu as pltpu
from jax.experimental.pallas import tpu_sc as plsc

D_MODEL = 64
T_TOTAL = 16384
DAY_ROWS = 288
WEEK_ROWS = 7
NUM_CORES = 2
NUM_SUBCORES = 16
NW = NUM_CORES * NUM_SUBCORES
BPW = T_TOTAL // NW
NCH = 4
CH = BPW // NCH

_mesh = plsc.VectorSubcoreMesh(core_axis_name="c", subcore_axis_name="s")


@functools.partial(
    pl.kernel,
    out_type=(
        jax.ShapeDtypeStruct((T_TOTAL, D_MODEL), jnp.float32),
        jax.ShapeDtypeStruct((T_TOTAL, D_MODEL), jnp.float32),
    ),
    mesh=_mesh,
    compiler_params=pltpu.CompilerParams(use_tc_tiling_on_sc=False),
    scratch_types=[
        pltpu.VMEM((NCH, CH), jnp.int32),
        pltpu.VMEM((NCH, CH), jnp.int32),
        pltpu.VMEM((NCH, CH, D_MODEL), jnp.float32),
        pltpu.VMEM((NCH, CH, D_MODEL), jnp.float32),
        pltpu.VMEM_SHARED((DAY_ROWS, D_MODEL), jnp.float32),
        pltpu.VMEM_SHARED((WEEK_ROWS, D_MODEL), jnp.float32),
        pltpu.SemaphoreType.DMA,
        pltpu.SemaphoreType.DMA,
        pltpu.SemaphoreType.DMA,
        pltpu.SemaphoreType.DMA,
    ],
)
def _embed_sc(minute_hbm, weekday_hbm, emb_day_hbm, emb_week_hbm,
              out_d_hbm, out_w_hbm,
              idx_d, idx_w, rows_d, rows_w, sp_day, sp_week,
              sem_i, sem_t, sem_g, sem_o):
    sid = lax.axis_index("s")
    wid = sid * NUM_CORES + lax.axis_index("c")
    base = wid * BPW

    ci_d = pltpu.async_copy(minute_hbm.at[wid], idx_d, sem_i)
    ci_w = pltpu.async_copy(weekday_hbm.at[wid], idx_w, sem_i)

    @pl.when(sid == 0)
    def _stage_tables():
        ct_d = pltpu.async_copy(emb_day_hbm, sp_day, sem_t)
        ct_w = pltpu.async_copy(emb_week_hbm, sp_week, sem_t)
        ct_d.wait()
        ct_w.wait()

    plsc.subcore_barrier()
    ci_d.wait()
    ci_w.wait()

    gd = [pltpu.async_copy(sp_day.at[idx_d.at[j]], rows_d.at[j], sem_g)
          for j in range(NCH)]
    gw = [pltpu.async_copy(sp_week.at[idx_w.at[j]], rows_w.at[j], sem_g)
          for j in range(NCH)]

    wo = []
    for j in range(NCH):
        dst = pl.ds(base + j * CH, CH)
        gd[j].wait()
        wo.append(pltpu.async_copy(rows_d.at[j], out_d_hbm.at[dst], sem_o))
    for j in range(NCH):
        dst = pl.ds(base + j * CH, CH)
        gw[j].wait()
        wo.append(pltpu.async_copy(rows_w.at[j], out_w_hbm.at[dst], sem_o))
    for cp in wo:
        cp.wait()


def kernel(T, minute_idx, weekday_idx, emb_day, emb_week):
    del T
    m = minute_idx.reshape(NW, NCH, CH)
    w = weekday_idx.reshape(NW, NCH, CH)
    return _embed_sc(m, w, emb_day, emb_week)

# --- scband reference (transcript-rebuilt; emitter-appended) ---
"""Pipeline reference for scband-temporal-periodic-embed-69243462746240 (READ-ONLY COPY).

The authoritative reference and input builder live on the scoring server;
editing this copy changes nothing except your own understanding.
"""

import jax, jax.numpy as jnp
import numpy as np

D_MODEL = 64
M = 5
MAX_MINUTES = 1440
PERIODS_PER_DAY = MAX_MINUTES // M  # 288
T_LEN = 16384


def setup_inputs(seed: int = 0) -> dict:
    key = jax.random.key(seed)
    k1, k2, k3, k4 = jax.random.split(key, 4)
    minute_idx = jax.random.randint(k1, (T_LEN,), 0, PERIODS_PER_DAY, dtype=jnp.int64 if jax.config.jax_enable_x64 else jnp.int32).astype(jnp.int32)
    weekday_idx = jax.random.randint(k2, (T_LEN,), 0, 7, dtype=jnp.int32)
    # Learned parameters: embedding tables (nn.Embedding default init ~ N(0,1))
    emb_day = jax.random.normal(k3, (PERIODS_PER_DAY, D_MODEL), dtype=jnp.float32)
    emb_week = jax.random.normal(k4, (7, D_MODEL), dtype=jnp.float32)
    return {
        "T": T_LEN,
        "minute_idx": minute_idx,
        "weekday_idx": weekday_idx,
        "emb_day": emb_day,
        "emb_week": emb_week,
    }


def reference(T, minute_idx, weekday_idx, emb_day, emb_week):
    # Faithful translation of TemporalPeriodicEmbed.forward with indices provided.
    minute_idx = jnp.remainder(minute_idx, emb_day.shape[0])
    weekday_idx = jnp.remainder(weekday_idx, 7)
    E_d = jnp.take(emb_day, minute_idx, axis=0)
    E_w = jnp.take(emb_week, weekday_idx, axis=0)
    return (E_d, E_w)

if __name__ == "__main__":
    import jax
    _d = setup_inputs()
    print(jax.jit(kernel)(*tuple(_d.values())))

</pallas_src>

<mosaic_0001>
#map = affine_map<(d0, d1) -> (0, 0, 0)>
#map1 = affine_map<(d0, d1) -> (0, 0)>
module attributes {stable_mosaic.version = 14 : i64} {
  func.func @_embed_sc(%arg0: i32, %arg1: i32, %arg2: memref<32x4x128xi32, #tpu.memory_space<hbm>>, %arg3: memref<32x4x128xi32, #tpu.memory_space<hbm>>, %arg4: memref<288x64xf32, #tpu.memory_space<hbm>>, %arg5: memref<7x64xf32, #tpu.memory_space<hbm>>, %arg6: memref<16384x64xf32, #tpu.memory_space<hbm>>, %arg7: memref<16384x64xf32, #tpu.memory_space<hbm>>, %arg8: memref<4x128xi32, #tpu.memory_space<vmem>>, %arg9: memref<4x128xi32, #tpu.memory_space<vmem>>, %arg10: memref<4x128x64xf32, #tpu.memory_space<vmem>>, %arg11: memref<4x128x64xf32, #tpu.memory_space<vmem>>, %arg12: memref<288x64xf32, #tpu.memory_space<vmem_shared>>, %arg13: memref<7x64xf32, #tpu.memory_space<vmem_shared>>, %arg14: memref<!tpu.dma_semaphore, #tpu.memory_space<semaphore_mem>>, %arg15: memref<!tpu.dma_semaphore, #tpu.memory_space<semaphore_mem>>, %arg16: memref<!tpu.dma_semaphore, #tpu.memory_space<semaphore_mem>>, %arg17: memref<!tpu.dma_semaphore, #tpu.memory_space<semaphore_mem>>) attributes {dimension_semantics = [#tpu.dimension_semantics<core_parallel>, #tpu.dimension_semantics<subcore_parallel>], iteration_bounds = array<i64: 2, 16>, scalar_prefetch = 0 : i64, scratch_operands = 10 : i64, tpu.core_type = #tpu.core_type<sc_vector_subcore>, window_params = [{transform_indices = #map}, {transform_indices = #map}, {transform_indices = #map1}, {transform_indices = #map1}, {transform_indices = #map1}, {transform_indices = #map1}]} {
    %mul3A = arith.constant 2 : i32
    %mul3A_0 = arith.muli %arg1, %mul3A : i32
    %add3A = arith.addi %mul3A_0, %arg0 : i32
    %mul3A_1 = arith.constant 512 : i32
    %mul3A_2 = arith.muli %add3A, %mul3A_1 : i32
    %dma_start3A = arith.constant 0 : i32
    %dma_start3A_3 = arith.constant 0 : i32
    %dma_start3A_4 = tpu.memref_slice %arg2[%add3A, %dma_start3A, %dma_start3A_3] : memref<32x4x128xi32, #tpu.memory_space<hbm>> -> memref<1x4x128xi32, #tpu.memory_space<hbm>>
    %dma_start3A_5 = tpu.memref_squeeze %dma_start3A_4 : memref<1x4x128xi32, #tpu.memory_space<hbm>> -> memref<4x128xi32, #tpu.memory_space<hbm>>
    %dma_start3A_6 = arith.constant 0 : i32
    %dma_start3A_7 = arith.constant 0 : i32
    %dma_start3A_8 = tpu.memref_slice %arg2[%add3A, %dma_start3A_6, %dma_start3A_7] : memref<32x4x128xi32, #tpu.memory_space<hbm>> -> memref<1x4x128xi32, #tpu.memory_space<hbm>>
    %dma_start3A_9 = tpu.memref_squeeze %dma_start3A_8 : memref<1x4x128xi32, #tpu.memory_space<hbm>> -> memref<4x128xi32, #tpu.memory_space<hbm>>
    tpu.enqueue_dma source(%dma_start3A_9 : memref<4x128xi32, #tpu.memory_space<hbm>>) target(%arg8 : memref<4x128xi32, #tpu.memory_space<vmem>>) target_semaphore(%arg14 : memref<!tpu.dma_semaphore, #tpu.memory_space<semaphore_mem>>)
    %dma_start3A_10 = arith.constant 0 : i32
    %dma_start3A_11 = arith.constant 0 : i32
    %dma_start3A_12 = tpu.memref_slice %arg3[%add3A, %dma_start3A_10, %dma_start3A_11] : memref<32x4x128xi32, #tpu.memory_space<hbm>> -> memref<1x4x128xi32, #tpu.memory_space<hbm>>
    %dma_start3A_13 = tpu.memref_squeeze %dma_start3A_12 : memref<1x4x128xi32, #tpu.memory_space<hbm>> -> memref<4x128xi32, #tpu.memory_space<hbm>>
    %dma_start3A_14 = arith.constant 0 : i32
    %dma_start3A_15 = arith.constant 0 : i32
    %dma_start3A_16 = tpu.memref_slice %arg3[%add3A, %dma_start3A_14, %dma_start3A_15] : memref<32x4x128xi32, #tpu.memory_space<hbm>> -> memref<1x4x128xi32, #tpu.memory_space<hbm>>
    %dma_start3A_17 = tpu.memref_squeeze %dma_start3A_16 : memref<1x4x128xi32, #tpu.memory_space<hbm>> -> memref<4x128xi32, #tpu.memory_space<hbm>>
    tpu.enqueue_dma source(%dma_start3A_17 : memref<4x128xi32, #tpu.memory_space<hbm>>) target(%arg9 : memref<4x128xi32, #tpu.memory_space<vmem>>) target_semaphore(%arg14 : memref<!tpu.dma_semaphore, #tpu.memory_space<semaphore_mem>>)
    %eq3A = arith.constant 0 : i32
    %eq3A_18 = arith.cmpi eq, %arg1, %eq3A : i32
    %convert_element_type3A = arith.extui %eq3A_18 : i1 to i32
    %cond3A = arith.constant 0 : i32
    %cond3A_19 = arith.cmpi ne, %convert_element_type3A, %cond3A : i32
    scf.if %cond3A_19 {
      tpu.enqueue_dma source(%arg4 : memref<288x64xf32, #tpu.memory_space<hbm>>) target(%arg12 : memref<288x64xf32, #tpu.memory_space<vmem_shared>>) target_semaphore(%arg15 : memref<!tpu.dma_semaphore, #tpu.memory_space<semaphore_mem>>)
      tpu.enqueue_dma source(%arg5 : memref<7x64xf32, #tpu.memory_space<hbm>>) target(%arg13 : memref<7x64xf32, #tpu.memory_space<vmem_shared>>) target_semaphore(%arg15 : memref<!tpu.dma_semaphore, #tpu.memory_space<semaphore_mem>>)
      tpu.wait_dma2 semaphore(%arg15 : memref<!tpu.dma_semaphore, #tpu.memory_space<semaphore_mem>>) src(%arg4 : memref<288x64xf32, #tpu.memory_space<hbm>>) dst(%arg12 : memref<288x64xf32, #tpu.memory_space<vmem_shared>>)
      tpu.wait_dma2 semaphore(%arg15 : memref<!tpu.dma_semaphore, #tpu.memory_space<semaphore_mem>>) src(%arg5 : memref<7x64xf32, #tpu.memory_space<hbm>>) dst(%arg13 : memref<7x64xf32, #tpu.memory_space<vmem_shared>>)
    } else {
    }
    %barrier3A = arith.constant 0 : index
    tpu.barrier barrier_id(%barrier3A)
    %dma_wait3A = arith.constant 0 : i32
    %dma_wait3A_20 = arith.constant 0 : i32
    %dma_wait3A_21 = tpu.memref_slice %arg2[%add3A, %dma_wait3A, %dma_wait3A_20] : memref<32x4x128xi32, #tpu.memory_space<hbm>> -> memref<1x4x128xi32, #tpu.memory_space<hbm>>
    %dma_wait3A_22 = tpu.memref_squeeze %dma_wait3A_21 : memref<1x4x128xi32, #tpu.memory_space<hbm>> -> memref<4x128xi32, #tpu.memory_space<hbm>>
    %dma_wait3A_23 = arith.constant 0 : i32
    %dma_wait3A_24 = arith.constant 0 : i32
    %dma_wait3A_25 = tpu.memref_slice %arg2[%add3A, %dma_wait3A_23, %dma_wait3A_24] : memref<32x4x128xi32, #tpu.memory_space<hbm>> -> memref<1x4x128xi32, #tpu.memory_space<hbm>>
    %dma_wait3A_26 = tpu.memref_squeeze %dma_wait3A_25 : memref<1x4x128xi32, #tpu.memory_space<hbm>> -> memref<4x128xi32, #tpu.memory_space<hbm>>
    tpu.wait_dma2 semaphore(%arg14 : memref<!tpu.dma_semaphore, #tpu.memory_space<semaphore_mem>>) src(%dma_wait3A_26 : memref<4x128xi32, #tpu.memory_space<hbm>>) dst(%arg8 : memref<4x128xi32, #tpu.memory_space<vmem>>)
    %dma_wait3A_27 = arith.constant 0 : i32
    %dma_wait3A_28 = arith.constant 0 : i32
    %dma_wait3A_29 = tpu.memref_slice %arg3[%add3A, %dma_wait3A_27, %dma_wait3A_28] : memref<32x4x128xi32, #tpu.memory_space<hbm>> -> memref<1x4x128xi32, #tpu.memory_space<hbm>>
    %dma_wait3A_30 = tpu.memref_squeeze %dma_wait3A_29 : memref<1x4x128xi32, #tpu.memory_space<hbm>> -> memref<4x128xi32, #tpu.memory_space<hbm>>
    %dma_wait3A_31 = arith.constant 0 : i32
    %dma_wait3A_32 = arith.constant 0 : i32
    %dma_wait3A_33 = tpu.memref_slice %arg3[%add3A, %dma_wait3A_31, %dma_wait3A_32] : memref<32x4x128xi32, #tpu.memory_space<hbm>> -> memref<1x4x128xi32, #tpu.memory_space<hbm>>
    %dma_wait3A_34 = tpu.memref_squeeze %dma_wait3A_33 : memref<1x4x128xi32, #tpu.memory_space<hbm>> -> memref<4x128xi32, #tpu.memory_space<hbm>>
    tpu.wait_dma2 semaphore(%arg14 : memref<!tpu.dma_semaphore, #tpu.memory_space<semaphore_mem>>) src(%dma_wait3A_34 : memref<4x128xi32, #tpu.memory_space<hbm>>) dst(%arg9 : memref<4x128xi32, #tpu.memory_space<vmem>>)
    %dma_start3A_35 = arith.constant 0 : i32
    %dma_start3A_36 = arith.constant 0 : i32
    %dma_start3A_37 = arith.constant 0 : i32
    %dma_start3A_38 = arith.constant 0 : i32
    %dma_start3A_39 = tpu.memref_slice %arg10[%dma_start3A_36, %dma_start3A_37, %dma_start3A_38] : memref<4x128x64xf32, #tpu.memory_space<vmem>> -> memref<1x128x64xf32, #tpu.memory_space<vmem>>
    %dma_start3A_40 = tpu.memref_squeeze %dma_start3A_39 : memref<1x128x64xf32, #tpu.memory_space<vmem>> -> memref<128x64xf32, #tpu.memory_space<vmem>>
    %dma_start3A_41 = arith.constant 0 : i32
    %dma_start3A_42 = tpu.memref_slice %arg8[%dma_start3A_35, %dma_start3A_41] : memref<4x128xi32, #tpu.memory_space<vmem>> -> memref<1x128xi32, #tpu.memory_space<vmem>>
    %dma_start3A_43 = tpu.memref_squeeze %dma_start3A_42 : memref<1x128xi32, #tpu.memory_space<vmem>> -> memref<128xi32, #tpu.memory_space<vmem>>
    %dma_start3A_44 = arith.constant 0 : i32
    %dma_start3A_45 = arith.constant 0 : i32
    %dma_start3A_46 = tpu.memref_slice %arg12[%dma_start3A_44, %dma_start3A_45] : memref<288x64xf32, #tpu.memory_space<vmem_shared>> -> memref<288x64xf32, #tpu.memory_space<vmem_shared>>
    tpu.enqueue_indirect_dma source(%dma_start3A_46 : memref<288x64xf32, #tpu.memory_space<vmem_shared>>) target(%dma_start3A_40 : memref<128x64xf32, #tpu.memory_space<vmem>>) offsets(%dma_start3A_43 : memref<128xi32, #tpu.memory_space<vmem>>) semaphore(%arg16 : memref<!tpu.dma_semaphore, #tpu.memory_space<semaphore_mem>>)
    %dma_start3A_47 = arith.constant 1 : i32
    %dma_start3A_48 = arith.constant 1 : i32
    %dma_start3A_49 = arith.constant 0 : i32
    %dma_start3A_50 = arith.constant 0 : i32
    %dma_start3A_51 = tpu.memref_slice %arg10[%dma_start3A_48, %dma_start3A_49, %dma_start3A_50] : memref<4x128x64xf32, #tpu.memory_space<vmem>> -> memref<1x128x64xf32, #tpu.memory_space<vmem>>
    %dma_start3A_52 = tpu.memref_squeeze %dma_start3A_51 : memref<1x128x64xf32, #tpu.memory_space<vmem>> -> memref<128x64xf32, #tpu.memory_space<vmem>>
    %dma_start3A_53 = arith.constant 0 : i32
    %dma_start3A_54 = tpu.memref_slice %arg8[%dma_start3A_47, %dma_start3A_53] : memref<4x128xi32, #tpu.memory_space<vmem>> -> memref<1x128xi32, #tpu.memory_space<vmem>>
    %dma_start3A_55 = tpu.memref_squeeze %dma_start3A_54 : memref<1x128xi32, #tpu.memory_space<vmem>> -> memref<128xi32, #tpu.memory_space<vmem>>
    %dma_start3A_56 = arith.constant 0 : i32
    %dma_start3A_57 = arith.constant 0 : i32
    %dma_start3A_58 = tpu.memref_slice %arg12[%dma_start3A_56, %dma_start3A_57] : memref<288x64xf32, #tpu.memory_space<vmem_shared>> -> memref<288x64xf32, #tpu.memory_space<vmem_shared>>
    tpu.enqueue_indirect_dma source(%dma_start3A_58 : memref<288x64xf32, #tpu.memory_space<vmem_shared>>) target(%dma_start3A_52 : memref<128x64xf32, #tpu.memory_space<vmem>>) offsets(%dma_start3A_55 : memref<128xi32, #tpu.memory_space<vmem>>) semaphore(%arg16 : memref<!tpu.dma_semaphore, #tpu.memory_space<semaphore_mem>>)
    %dma_start3A_59 = arith.constant 2 : i32
    %dma_start3A_60 = arith.constant 2 : i32
    %dma_start3A_61 = arith.constant 0 : i32
    %dma_start3A_62 = arith.constant 0 : i32
    %dma_start3A_63 = tpu.memref_slice %arg10[%dma_start3A_60, %dma_start3A_61, %dma_start3A_62] : memref<4x128x64xf32, #tpu.memory_space<vmem>> -> memref<1x128x64xf32, #tpu.memory_space<vmem>>
    %dma_start3A_64 = tpu.memref_squeeze %dma_start3A_63 : memref<1x128x64xf32, #tpu.memory_space<vmem>> -> memref<128x64xf32, #tpu.memory_space<vmem>>
    %dma_start3A_65 = arith.constant 0 : i32
    %dma_start3A_66 = tpu.memref_slice %arg8[%dma_start3A_59, %dma_start3A_65] : memref<4x128xi32, #tpu.memory_space<vmem>> -> memref<1x128xi32, #tpu.memory_space<vmem>>
    %dma_start3A_67 = tpu.memref_squeeze %dma_start3A_66 : memref<1x128xi32, #tpu.memory_space<vmem>> -> memref<128xi32, #tpu.memory_space<vmem>>
    %dma_start3A_68 = arith.constant 0 : i32
    %dma_start3A_69 = arith.constant 0 : i32
    %dma_start3A_70 = tpu.memref_slice %arg12[%dma_start3A_68, %dma_start3A_69] : memref<288x64xf32, #tpu.memory_space<vmem_shared>> -> memref<288x64xf32, #tpu.memory_space<vmem_shared>>
    tpu.enqueue_indirect_dma source(%dma_start3A_70 : memref<288x64xf32, #tpu.memory_space<vmem_shared>>) target(%dma_start3A_64 : memref<128x64xf32, #tpu.memory_space<vmem>>) offsets(%dma_start3A_67 : memref<128xi32, #tpu.memory_space<vmem>>) semaphore(%arg16 : memref<!tpu.dma_semaphore, #tpu.memory_space<semaphore_mem>>)
    %dma_start3A_71 = arith.constant 3 : i32
    %dma_start3A_72 = arith.constant 3 : i32
    %dma_start3A_73 = arith.constant 0 : i32
    %dma_start3A_74 = arith.constant 0 : i32
    %dma_start3A_75 = tpu.memref_slice %arg10[%dma_start3A_72, %dma_start3A_73, %dma_start3A_74] : memref<4x128x64xf32, #tpu.memory_space<vmem>> -> memref<1x128x64xf32, #tpu.memory_space<vmem>>
    %dma_start3A_76 = tpu.memref_squeeze %dma_start3A_75 : memref<1x128x64xf32, #tpu.memory_space<vmem>> -> memref<128x64xf32, #tpu.memory_space<vmem>>
    %dma_start3A_77 = arith.constant 0 : i32
    %dma_start3A_78 = tpu.memref_slice %arg8[%dma_start3A_71, %dma_start3A_77] : memref<4x128xi32, #tpu.memory_space<vmem>> -> memref<1x128xi32, #tpu.memory_space<vmem>>
    %dma_start3A_79 = tpu.memref_squeeze %dma_start3A_78 : memref<1x128xi32, #tpu.memory_space<vmem>> -> memref<128xi32, #tpu.memory_space<vmem>>
    %dma_start3A_80 = arith.constant 0 : i32
    %dma_start3A_81 = arith.constant 0 : i32
    %dma_start3A_82 = tpu.memref_slice %arg12[%dma_start3A_80, %dma_start3A_81] : memref<288x64xf32, #tpu.memory_space<vmem_shared>> -> memref<288x64xf32, #tpu.memory_space<vmem_shared>>
    tpu.enqueue_indirect_dma source(%dma_start3A_82 : memref<288x64xf32, #tpu.memory_space<vmem_shared>>) target(%dma_start3A_76 : memref<128x64xf32, #tpu.memory_space<vmem>>) offsets(%dma_start3A_79 : memref<128xi32, #tpu.memory_space<vmem>>) semaphore(%arg16 : memref<!tpu.dma_semaphore, #tpu.memory_space<semaphore_mem>>)
    %dma_start3A_83 = arith.constant 0 : i32
    %dma_start3A_84 = arith.constant 0 : i32
    %dma_start3A_85 = arith.constant 0 : i32
    %dma_start3A_86 = arith.constant 0 : i32
    %dma_start3A_87 = tpu.memref_slice %arg11[%dma_start3A_84, %dma_start3A_85, %dma_start3A_86] : memref<4x128x64xf32, #tpu.memory_space<vmem>> -> memref<1x128x64xf32, #tpu.memory_space<vmem>>
    %dma_start3A_88 = tpu.memref_squeeze %dma_start3A_87 : memref<1x128x64xf32, #tpu.memory_space<vmem>> -> memref<128x64xf32, #tpu.memory_space<vmem>>
    %dma_start3A_89 = arith.constant 0 : i32
    %dma_start3A_90 = tpu.memref_slice %arg9[%dma_start3A_83, %dma_start3A_89] : memref<4x128xi32, #tpu.memory_space<vmem>> -> memref<1x128xi32, #tpu.memory_space<vmem>>
    %dma_start3A_91 = tpu.memref_squeeze %dma_start3A_90 : memref<1x128xi32, #tpu.memory_space<vmem>> -> memref<128xi32, #tpu.memory_space<vmem>>
    %dma_start3A_92 = arith.constant 0 : i32
    %dma_start3A_93 = arith.constant 0 : i32
    %dma_start3A_94 = tpu.memref_slice %arg13[%dma_start3A_92, %dma_start3A_93] : memref<7x64xf32, #tpu.memory_space<vmem_shared>> -> memref<7x64xf32, #tpu.memory_space<vmem_shared>>
    tpu.enqueue_indirect_dma source(%dma_start3A_94 : memref<7x64xf32, #tpu.memory_space<vmem_shared>>) target(%dma_start3A_88 : memref<128x64xf32, #tpu.memory_space<vmem>>) offsets(%dma_start3A_91 : memref<128xi32, #tpu.memory_space<vmem>>) semaphore(%arg16 : memref<!tpu.dma_semaphore, #tpu.memory_space<semaphore_mem>>)
    %dma_start3A_95 = arith.constant 1 : i32
    %dma_start3A_96 = arith.constant 1 : i32
    %dma_start3A_97 = arith.constant 0 : i32
    %dma_start3A_98 = arith.constant 0 : i32
    %dma_start3A_99 = tpu.memref_slice %arg11[%dma_start3A_96, %dma_start3A_97, %dma_start3A_98] : memref<4x128x64xf32, #tpu.memory_space<vmem>> -> memref<1x128x64xf32, #tpu.memory_space<vmem>>
    %dma_start3A_100 = tpu.memref_squeeze %dma_start3A_99 : memref<1x128x64xf32, #tpu.memory_space<vmem>> -> memref<128x64xf32, #tpu.memory_space<vmem>>
    %dma_start3A_101 = arith.constant 0 : i32
    %dma_start3A_102 = tpu.memref_slice %arg9[%dma_start3A_95, %dma_start3A_101] : memref<4x128xi32, #tpu.memory_space<vmem>> -> memref<1x128xi32, #tpu.memory_space<vmem>>
    %dma_start3A_103 = tpu.memref_squeeze %dma_start3A_102 : memref<1x128xi32, #tpu.memory_space<vmem>> -> memref<128xi32, #tpu.memory_space<vmem>>
    %dma_start3A_104 = arith.constant 0 : i32
    %dma_start3A_105 = arith.constant 0 : i32
    %dma_start3A_106 = tpu.memref_slice %arg13[%dma_start3A_104, %dma_start3A_105] : memref<7x64xf32, #tpu.memory_space<vmem_shared>> -> memref<7x64xf32, #tpu.memory_space<vmem_shared>>
    tpu.enqueue_indirect_dma source(%dma_start3A_106 : memref<7x64xf32, #tpu.memory_space<vmem_shared>>) target(%dma_start3A_100 : memref<128x64xf32, #tpu.memory_space<vmem>>) offsets(%dma_start3A_103 : memref<128xi32, #tpu.memory_space<vmem>>) semaphore(%arg16 : memref<!tpu.dma_semaphore, #tpu.memory_space<semaphore_mem>>)
    %dma_start3A_107 = arith.constant 2 : i32
    %dma_start3A_108 = arith.constant 2 : i32
    %dma_start3A_109 = arith.constant 0 : i32
    %dma_start3A_110 = arith.constant 0 : i32
    %dma_start3A_111 = tpu.memref_slice %arg11[%dma_start3A_108, %dma_start3A_109, %dma_start3A_110] : memref<4x128x64xf32, #tpu.memory_space<vmem>> -> memref<1x128x64xf32, #tpu.memory_space<vmem>>
    %dma_start3A_112 = tpu.memref_squeeze %dma_start3A_111 : memref<1x128x64xf32, #tpu.memory_space<vmem>> -> memref<128x64xf32, #tpu.memory_space<vmem>>
    %dma_start3A_113 = arith.constant 0 : i32
    %dma_start3A_114 = tpu.memref_slice %arg9[%dma_start3A_107, %dma_start3A_113] : memref<4x128xi32, #tpu.memory_space<vmem>> -> memref<1x128xi32, #tpu.memory_space<vmem>>
    %dma_start3A_115 = tpu.memref_squeeze %dma_start3A_114 : memref<1x128xi32, #tpu.memory_space<vmem>> -> memref<128xi32, #tpu.memory_space<vmem>>
    %dma_start3A_116 = arith.constant 0 : i32
    %dma_start3A_117 = arith.constant 0 : i32
    %dma_start3A_118 = tpu.memref_slice %arg13[%dma_start3A_116, %dma_start3A_117] : memref<7x64xf32, #tpu.memory_space<vmem_shared>> -> memref<7x64xf32, #tpu.memory_space<vmem_shared>>
    tpu.enqueue_indirect_dma source(%dma_start3A_118 : memref<7x64xf32, #tpu.memory_space<vmem_shared>>) target(%dma_start3A_112 : memref<128x64xf32, #tpu.memory_space<vmem>>) offsets(%dma_start3A_115 : memref<128xi32, #tpu.memory_space<vmem>>) semaphore(%arg16 : memref<!tpu.dma_semaphore, #tpu.memory_space<semaphore_mem>>)
    %dma_start3A_119 = arith.constant 3 : i32
    %dma_start3A_120 = arith.constant 3 : i32
    %dma_start3A_121 = arith.constant 0 : i32
    %dma_start3A_122 = arith.constant 0 : i32
    %dma_start3A_123 = tpu.memref_slice %arg11[%dma_start3A_120, %dma_start3A_121, %dma_start3A_122] : memref<4x128x64xf32, #tpu.memory_space<vmem>> -> memref<1x128x64xf32, #tpu.memory_space<vmem>>
    %dma_start3A_124 = tpu.memref_squeeze %dma_start3A_123 : memref<1x128x64xf32, #tpu.memory_space<vmem>> -> memref<128x64xf32, #tpu.memory_space<vmem>>
    %dma_start3A_125 = arith.constant 0 : i32
    %dma_start3A_126 = tpu.memref_slice %arg9[%dma_start3A_119, %dma_start3A_125] : memref<4x128xi32, #tpu.memory_space<vmem>> -> memref<1x128xi32, #tpu.memory_space<vmem>>
    %dma_start3A_127 = tpu.memref_squeeze %dma_start3A_126 : memref<1x128xi32, #tpu.memory_space<vmem>> -> memref<128xi32, #tpu.memory_space<vmem>>
    %dma_start3A_128 = arith.constant 0 : i32
    %dma_start3A_129 = arith.constant 0 : i32
    %dma_start3A_130 = tpu.memref_slice %arg13[%dma_start3A_128, %dma_start3A_129] : memref<7x64xf32, #tpu.memory_space<vmem_shared>> -> memref<7x64xf32, #tpu.memory_space<vmem_shared>>
    tpu.enqueue_indirect_dma source(%dma_start3A_130 : memref<7x64xf32, #tpu.memory_space<vmem_shared>>) target(%dma_start3A_124 : memref<128x64xf32, #tpu.memory_space<vmem>>) offsets(%dma_start3A_127 : memref<128xi32, #tpu.memory_space<vmem>>) semaphore(%arg16 : memref<!tpu.dma_semaphore, #tpu.memory_space<semaphore_mem>>)
    %add3A_131 = arith.constant 0 : i32
    %add3A_132 = arith.addi %mul3A_2, %add3A_131 : i32
    %dma_wait3A_133 = arith.constant 0 : i32
    %dma_wait3A_134 = arith.constant 0 : i32
    %dma_wait3A_135 = arith.constant 0 : i32
    %dma_wait3A_136 = arith.constant 0 : i32
    %dma_wait3A_137 = tpu.memref_slice %arg10[%dma_wait3A_134, %dma_wait3A_135, %dma_wait3A_136] : memref<4x128x64xf32, #tpu.memory_space<vmem>> -> memref<1x128x64xf32, #tpu.memory_space<vmem>>
    %dma_wait3A_138 = tpu.memref_squeeze %dma_wait3A_137 : memref<1x128x64xf32, #tpu.memory_space<vmem>> -> memref<128x64xf32, #tpu.memory_space<vmem>>
    %dma_wait3A_139 = arith.constant 0 : i32
    %dma_wait3A_140 = tpu.memref_slice %arg8[%dma_wait3A_133, %dma_wait3A_139] : memref<4x128xi32, #tpu.memory_space<vmem>> -> memref<1x128xi32, #tpu.memory_space<vmem>>
    %dma_wait3A_141 = tpu.memref_squeeze %dma_wait3A_140 : memref<1x128xi32, #tpu.memory_space<vmem>> -> memref<128xi32, #tpu.memory_space<vmem>>
    %dma_wait3A_142 = arith.constant 0 : i32
    %dma_wait3A_143 = arith.constant 0 : i32
    %dma_wait3A_144 = tpu.memref_slice %arg12[%dma_wait3A_142, %dma_wait3A_143] : memref<288x64xf32, #tpu.memory_space<vmem_shared>> -> memref<288x64xf32, #tpu.memory_space<vmem_shared>>
    tpu.wait_indirect_dma semaphore(%arg16 : memref<!tpu.dma_semaphore, #tpu.memory_space<semaphore_mem>>) src(%dma_wait3A_144 : memref<288x64xf32, #tpu.memory_space<vmem_shared>>) dst(%dma_wait3A_138 : memref<128x64xf32, #tpu.memory_space<vmem>>)
    %dma_start3A_145 = arith.constant 0 : i32
    %dma_start3A_146 = arith.constant 0 : i32
    %dma_start3A_147 = arith.constant 0 : i32
    %dma_start3A_148 = tpu.memref_slice %arg10[%dma_start3A_145, %dma_start3A_146, %dma_start3A_147] : memref<4x128x64xf32, #tpu.memory_space<vmem>> -> memref<1x128x64xf32, #tpu.memory_space<vmem>>
    %dma_start3A_149 = tpu.memref_squeeze %dma_start3A_148 : memref<1x128x64xf32, #tpu.memory_space<vmem>> -> memref<128x64xf32, #tpu.memory_space<vmem>>
    %dma_start3A_150 = arith.constant 0 : i32
    %dma_start3A_151 = tpu.memref_slice %arg6[%add3A_132, %dma_start3A_150] : memref<16384x64xf32, #tpu.memory_space<hbm>> -> memref<128x64xf32, #tpu.memory_space<hbm>>
    %dma_start3A_152 = arith.constant 0 : i32
    %dma_start3A_153 = tpu.memref_slice %arg6[%add3A_132, %dma_start3A_152] : memref<16384x64xf32, #tpu.memory_space<hbm>> -> memref<128x64xf32, #tpu.memory_space<hbm>>
    %dma_start3A_154 = arith.constant 0 : i32
    %dma_start3A_155 = arith.constant 0 : i32
    %dma_start3A_156 = tpu.memref_slice %arg10[%dma_start3A_145, %dma_start3A_154, %dma_start3A_155] : memref<4x128x64xf32, #tpu.memory_space<vmem>> -> memref<1x128x64xf32, #tpu.memory_space<vmem>>
    %dma_start3A_157 = tpu.memref_squeeze %dma_start3A_156 : memref<1x128x64xf32, #tpu.memory_space<vmem>> -> memref<128x64xf32, #tpu.memory_space<vmem>>
    tpu.enqueue_dma source(%dma_start3A_157 : memref<128x64xf32, #tpu.memory_space<vmem>>) target(%dma_start3A_153 : memref<128x64xf32, #tpu.memory_space<hbm>>) target_semaphore(%arg17 : memref<!tpu.dma_semaphore, #tpu.memory_space<semaphore_mem>>)
    %add3A_158 = arith.constant 128 : i32
    %add3A_159 = arith.addi %mul3A_2, %add3A_158 : i32
    %dma_wait3A_160 = arith.constant 1 : i32
    %dma_wait3A_161 = arith.constant 1 : i32
    %dma_wait3A_162 = arith.constant 0 : i32
    %dma_wait3A_163 = arith.constant 0 : i32
    %dma_wait3A_164 = tpu.memref_slice %arg10[%dma_wait3A_161, %dma_wait3A_162, %dma_wait3A_163] : memref<4x128x64xf32, #tpu.memory_space<vmem>> -> memref<1x128x64xf32, #tpu.memory_space<vmem>>
    %dma_wait3A_165 = tpu.memref_squeeze %dma_wait3A_164 : memref<1x128x64xf32, #tpu.memory_space<vmem>> -> memref<128x64xf32, #tpu.memory_space<vmem>>
    %dma_wait3A_166 = arith.constant 0 : i32
    %dma_wait3A_167 = tpu.memref_slice %arg8[%dma_wait3A_160, %dma_wait3A_166] : memref<4x128xi32, #tpu.memory_space<vmem>> -> memref<1x128xi32, #tpu.memory_space<vmem>>
    %dma_wait3A_168 = tpu.memref_squeeze %dma_wait3A_167 : memref<1x128xi32, #tpu.memory_space<vmem>> -> memref<128xi32, #tpu.memory_space<vmem>>
    %dma_wait3A_169 = arith.constant 0 : i32
    %dma_wait3A_170 = arith.constant 0 : i32
    %dma_wait3A_171 = tpu.memref_slice %arg12[%dma_wait3A_169, %dma_wait3A_170] : memref<288x64xf32, #tpu.memory_space<vmem_shared>> -> memref<288x64xf32, #tpu.memory_space<vmem_shared>>
    tpu.wait_indirect_dma semaphore(%arg16 : memref<!tpu.dma_semaphore, #tpu.memory_space<semaphore_mem>>) src(%dma_wait3A_171 : memref<288x64xf32, #tpu.memory_space<vmem_shared>>) dst(%dma_wait3A_165 : memref<128x64xf32, #tpu.memory_space<vmem>>)
    %dma_start3A_172 = arith.constant 1 : i32
    %dma_start3A_173 = arith.constant 0 : i32
    %dma_start3A_174 = arith.constant 0 : i32
    %dma_start3A_175 = tpu.memref_slice %arg10[%dma_start3A_172, %dma_start3A_173, %dma_start3A_174] : memref<4x128x64xf32, #tpu.memory_space<vmem>> -> memref<1x128x64xf32, #tpu.memory_space<vmem>>
    %dma_start3A_176 = tpu.memref_squeeze %dma_start3A_175 : memref<1x128x64xf32, #tpu.memory_space<vmem>> -> memref<128x64xf32, #tpu.memory_space<vmem>>
    %dma_start3A_177 = arith.constant 0 : i32
    %dma_start3A_178 = tpu.memref_slice %arg6[%add3A_159, %dma_start3A_177] : memref<16384x64xf32, #tpu.memory_space<hbm>> -> memref<128x64xf32, #tpu.memory_space<hbm>>
    %dma_start3A_179 = arith.constant 0 : i32
    %dma_start3A_180 = tpu.memref_slice %arg6[%add3A_159, %dma_start3A_179] : memref<16384x64xf32, #tpu.memory_space<hbm>> -> memref<128x64xf32, #tpu.memory_space<hbm>>
    %dma_start3A_181 = arith.constant 0 : i32
    %dma_start3A_182 = arith.constant 0 : i32
    %dma_start3A_183 = tpu.memref_slice %arg10[%dma_start3A_172, %dma_start3A_181, %dma_start3A_182] : memref<4x128x64xf32, #tpu.memory_space<vmem>> -> memref<1x128x64xf32, #tpu.memory_space<vmem>>
    %dma_start3A_184 = tpu.memref_squeeze %dma_start3A_183 : memref<1x128x64xf32, #tpu.memory_space<vmem>> -> memref<128x64xf32, #tpu.memory_space<vmem>>
    tpu.enqueue_dma source(%dma_start3A_184 : memref<128x64xf32, #tpu.memory_space<vmem>>) target(%dma_start3A_180 : memref<128x64xf32, #tpu.memory_space<hbm>>) target_semaphore(%arg17 : memref<!tpu.dma_semaphore, #tpu.memory_space<semaphore_mem>>)
    %add3A_185 = arith.constant 256 : i32
    %add3A_186 = arith.addi %mul3A_2, %add3A_185 : i32
    %dma_wait3A_187 = arith.constant 2 : i32
    %dma_wait3A_188 = arith.constant 2 : i32
    %dma_wait3A_189 = arith.constant 0 : i32
    %dma_wait3A_190 = arith.constant 0 : i32
    %dma_wait3A_191 = tpu.memref_slice %arg10[%dma_wait3A_188, %dma_wait3A_189, %dma_wait3A_190] : memref<4x128x64xf32, #tpu.memory_space<vmem>> -> memref<1x128x64xf32, #tpu.memory_space<vmem>>
    %dma_wait3A_192 = tpu.memref_squeeze %dma_wait3A_191 : memref<1x128x64xf32, #tpu.memory_space<vmem>> -> memref<128x64xf32, #tpu.memory_space<vmem>>
    %dma_wait3A_193 = arith.constant 0 : i32
    %dma_wait3A_194 = tpu.memref_slice %arg8[%dma_wait3A_187, %dma_wait3A_193] : memref<4x128xi32, #tpu.memory_space<vmem>> -> memref<1x128xi32, #tpu.memory_space<vmem>>
    %dma_wait3A_195 = tpu.memref_squeeze %dma_wait3A_194 : memref<1x128xi32, #tpu.memory_space<vmem>> -> memref<128xi32, #tpu.memory_space<vmem>>
    %dma_wait3A_196 = arith.constant 0 : i32
    %dma_wait3A_197 = arith.constant 0 : i32
    %dma_wait3A_198 = tpu.memref_slice %arg12[%dma_wait3A_196, %dma_wait3A_197] : memref<288x64xf32, #tpu.memory_space<vmem_shared>> -> memref<288x64xf32, #tpu.memory_space<vmem_shared>>
    tpu.wait_indirect_dma semaphore(%arg16 : memref<!tpu.dma_semaphore, #tpu.memory_space<semaphore_mem>>) src(%dma_wait3A_198 : memref<288x64xf32, #tpu.memory_space<vmem_shared>>) dst(%dma_wait3A_192 : memref<128x64xf32, #tpu.memory_space<vmem>>)
    %dma_start3A_199 = arith.constant 2 : i32
    %dma_start3A_200 = arith.constant 0 : i32
    %dma_start3A_201 = arith.constant 0 : i32
    %dma_start3A_202 = tpu.memref_slice %arg10[%dma_start3A_199, %dma_start3A_200, %dma_start3A_201] : memref<4x128x64xf32, #tpu.memory_space<vmem>> -> memref<1x128x64xf32, #tpu.memory_space<vmem>>
    %dma_start3A_203 = tpu.memref_squeeze %dma_start3A_202 : memref<1x128x64xf32, #tpu.memory_space<vmem>> -> memref<128x64xf32, #tpu.memory_space<vmem>>
    %dma_start3A_204 = arith.constant 0 : i32
    %dma_start3A_205 = tpu.memref_slice %arg6[%add3A_186, %dma_start3A_204] : memref<16384x64xf32, #tpu.memory_space<hbm>> -> memref<128x64xf32, #tpu.memory_space<hbm>>
    %dma_start3A_206 = arith.constant 0 : i32
    %dma_start3A_207 = tpu.memref_slice %arg6[%add3A_186, %dma_start3A_206] : memref<16384x64xf32, #tpu.memory_space<hbm>> -> memref<128x64xf32, #tpu.memory_space<hbm>>
    %dma_start3A_208 = arith.constant 0 : i32
    %dma_start3A_209 = arith.constant 0 : i32
    %dma_start3A_210 = tpu.memref_slice %arg10[%dma_start3A_199, %dma_start3A_208, %dma_start3A_209] : memref<4x128x64xf32, #tpu.memory_space<vmem>> -> memref<1x128x64xf32, #tpu.memory_space<vmem>>
    %dma_start3A_211 = tpu.memref_squeeze %dma_start3A_210 : memref<1x128x64xf32, #tpu.memory_space<vmem>> -> memref<128x64xf32, #tpu.memory_space<vmem>>
    tpu.enqueue_dma source(%dma_start3A_211 : memref<128x64xf32, #tpu.memory_space<vmem>>) target(%dma_start3A_207 : memref<128x64xf32, #tpu.memory_space<hbm>>) target_semaphore(%arg17 : memref<!tpu.dma_semaphore, #tpu.memory_space<semaphore_mem>>)
    %add3A_212 = arith.constant 384 : i32
    %add3A_213 = arith.addi %mul3A_2, %add3A_212 : i32
    %dma_wait3A_214 = arith.constant 3 : i32
    %dma_wait3A_215 = arith.constant 3 : i32
    %dma_wait3A_216 = arith.constant 0 : i32
    %dma_wait3A_217 = arith.constant 0 : i32
    %dma_wait3A_218 = tpu.memref_slice %arg10[%dma_wait3A_215, %dma_wait3A_216, %dma_wait3A_217] : memref<4x128x64xf32, #tpu.memory_space<vmem>> -> memref<1x128x64xf32, #tpu.memory_space<vmem>>
    %dma_wait3A_219 = tpu.memref_squeeze %dma_wait3A_218 : memref<1x128x64xf32, #tpu.memory_space<vmem>> -> memref<128x64xf32, #tpu.memory_space<vmem>>
    %dma_wait3A_220 = arith.constant 0 : i32
    %dma_wait3A_221 = tpu.memref_slice %arg8[%dma_wait3A_214, %dma_wait3A_220] : memref<4x128xi32, #tpu.memory_space<vmem>> -> memref<1x128xi32, #tpu.memory_space<vmem>>
    %dma_wait3A_222 = tpu.memref_squeeze %dma_wait3A_221 : memref<1x128xi32, #tpu.memory_space<vmem>> -> memref<128xi32, #tpu.memory_space<vmem>>
    %dma_wait3A_223 = arith.constant 0 : i32
    %dma_wait3A_224 = arith.constant 0 : i32
    %dma_wait3A_225 = tpu.memref_slice %arg12[%dma_wait3A_223, %dma_wait3A_224] : memref<288x64xf32, #tpu.memory_space<vmem_shared>> -> memref<288x64xf32, #tpu.memory_space<vmem_shared>>
    tpu.wait_indirect_dma semaphore(%arg16 : memref<!tpu.dma_semaphore, #tpu.memory_space<semaphore_mem>>) src(%dma_wait3A_225 : memref<288x64xf32, #tpu.memory_space<vmem_shared>>) dst(%dma_wait3A_219 : memref<128x64xf32, #tpu.memory_space<vmem>>)
    %dma_start3A_226 = arith.constant 3 : i32
    %dma_start3A_227 = arith.constant 0 : i32
    %dma_start3A_228 = arith.constant 0 : i32
    %dma_start3A_229 = tpu.memref_slice %arg10[%dma_start3A_226, %dma_start3A_227, %dma_start3A_228] : memref<4x128x64xf32, #tpu.memory_space<vmem>> -> memref<1x128x64xf32, #tpu.memory_space<vmem>>
    %dma_start3A_230 = tpu.memref_squeeze %dma_start3A_229 : memref<1x128x64xf32, #tpu.memory_space<vmem>> -> memref<128x64xf32, #tpu.memory_space<vmem>>
    %dma_start3A_231 = arith.constant 0 : i32
    %dma_start3A_232 = tpu.memref_slice %arg6[%add3A_213, %dma_start3A_231] : memref<16384x64xf32, #tpu.memory_space<hbm>> -> memref<128x64xf32, #tpu.memory_space<hbm>>
    %dma_start3A_233 = arith.constant 0 : i32
    %dma_start3A_234 = tpu.memref_slice %arg6[%add3A_213, %dma_start3A_233] : memref<16384x64xf32, #tpu.memory_space<hbm>> -> memref<128x64xf32, #tpu.memory_space<hbm>>
    %dma_start3A_235 = arith.constant 0 : i32
    %dma_start3A_236 = arith.constant 0 : i32
    %dma_start3A_237 = tpu.memref_slice %arg10[%dma_start3A_226, %dma_start3A_235, %dma_start3A_236] : memref<4x128x64xf32, #tpu.memory_space<vmem>> -> memref<1x128x64xf32, #tpu.memory_space<vmem>>
    %dma_start3A_238 = tpu.memref_squeeze %dma_start3A_237 : memref<1x128x64xf32, #tpu.memory_space<vmem>> -> memref<128x64xf32, #tpu.memory_space<vmem>>
    tpu.enqueue_dma source(%dma_start3A_238 : memref<128x64xf32, #tpu.memory_space<vmem>>) target(%dma_start3A_234 : memref<128x64xf32, #tpu.memory_space<hbm>>) target_semaphore(%arg17 : memref<!tpu.dma_semaphore, #tpu.memory_space<semaphore_mem>>)
    %add3A_239 = arith.constant 0 : i32
    %add3A_240 = arith.addi %mul3A_2, %add3A_239 : i32
    %dma_wait3A_241 = arith.constant 0 : i32
    %dma_wait3A_242 = arith.constant 0 : i32
    %dma_wait3A_243 = arith.constant 0 : i32
    %dma_wait3A_244 = arith.constant 0 : i32
    %dma_wait3A_245 = tpu.memref_slice %arg11[%dma_wait3A_242, %dma_wait3A_243, %dma_wait3A_244] : memref<4x128x64xf32, #tpu.memory_space<vmem>> -> memref<1x128x64xf32, #tpu.memory_space<vmem>>
    %dma_wait3A_246 = tpu.memref_squeeze %dma_wait3A_245 : memref<1x128x64xf32, #tpu.memory_space<vmem>> -> memref<128x64xf32, #tpu.memory_space<vmem>>
    %dma_wait3A_247 = arith.constant 0 : i32
    %dma_wait3A_248 = tpu.memref_slice %arg9[%dma_wait3A_241, %dma_wait3A_247] : memref<4x128xi32, #tpu.memory_space<vmem>> -> memref<1x128xi32, #tpu.memory_space<vmem>>
    %dma_wait3A_249 = tpu.memref_squeeze %dma_wait3A_248 : memref<1x128xi32, #tpu.memory_space<vmem>> -> memref<128xi32, #tpu.memory_space<vmem>>
    %dma_wait3A_250 = arith.constant 0 : i32
    %dma_wait3A_251 = arith.constant 0 : i32
    %dma_wait3A_252 = tpu.memref_slice %arg13[%dma_wait3A_250, %dma_wait3A_251] : memref<7x64xf32, #tpu.memory_space<vmem_shared>> -> memref<7x64xf32, #tpu.memory_space<vmem_shared>>
    tpu.wait_indirect_dma semaphore(%arg16 : memref<!tpu.dma_semaphore, #tpu.memory_space<semaphore_mem>>) src(%dma_wait3A_252 : memref<7x64xf32, #tpu.memory_space<vmem_shared>>) dst(%dma_wait3A_246 : memref<128x64xf32, #tpu.memory_space<vmem>>)
    %dma_start3A_253 = arith.constant 0 : i32
    %dma_start3A_254 = arith.constant 0 : i32
    %dma_start3A_255 = arith.constant 0 : i32
    %dma_start3A_256 = tpu.memref_slice %arg11[%dma_start3A_253, %dma_start3A_254, %dma_start3A_255] : memref<4x128x64xf32, #tpu.memory_space<vmem>> -> memref<1x128x64xf32, #tpu.memory_space<vmem>>
    %dma_start3A_257 = tpu.memref_squeeze %dma_start3A_256 : memref<1x128x64xf32, #tpu.memory_space<vmem>> -> memref<128x64xf32, #tpu.memory_space<vmem>>
    %dma_start3A_258 = arith.constant 0 : i32
    %dma_start3A_259 = tpu.memref_slice %arg7[%add3A_240, %dma_start3A_258] : memref<16384x64xf32, #tpu.memory_space<hbm>> -> memref<128x64xf32, #tpu.memory_space<hbm>>
    %dma_start3A_260 = arith.constant 0 : i32
    %dma_start3A_261 = tpu.memref_slice %arg7[%add3A_240, %dma_start3A_260] : memref<16384x64xf32, #tpu.memory_space<hbm>> -> memref<128x64xf32, #tpu.memory_space<hbm>>
    %dma_start3A_262 = arith.constant 0 : i32
    %dma_start3A_263 = arith.constant 0 : i32
    %dma_start3A_264 = tpu.memref_slice %arg11[%dma_start3A_253, %dma_start3A_262, %dma_start3A_263] : memref<4x128x64xf32, #tpu.memory_space<vmem>> -> memref<1x128x64xf32, #tpu.memory_space<vmem>>
    %dma_start3A_265 = tpu.memref_squeeze %dma_start3A_264 : memref<1x128x64xf32, #tpu.memory_space<vmem>> -> memref<128x64xf32, #tpu.memory_space<vmem>>
    tpu.enqueue_dma source(%dma_start3A_265 : memref<128x64xf32, #tpu.memory_space<vmem>>) target(%dma_start3A_261 : memref<128x64xf32, #tpu.memory_space<hbm>>) target_semaphore(%arg17 : memref<!tpu.dma_semaphore, #tpu.memory_space<semaphore_mem>>)
    %add3A_266 = arith.constant 128 : i32
    %add3A_267 = arith.addi %mul3A_2, %add3A_266 : i32
    %dma_wait3A_268 = arith.constant 1 : i32
    %dma_wait3A_269 = arith.constant 1 : i32
    %dma_wait3A_270 = arith.constant 0 : i32
    %dma_wait3A_271 = arith.constant 0 : i32
    %dma_wait3A_272 = tpu.memref_slice %arg11[%dma_wait3A_269, %dma_wait3A_270, %dma_wait3A_271] : memref<4x128x64xf32, #tpu.memory_space<vmem>> -> memref<1x128x64xf32, #tpu.memory_space<vmem>>
    %dma_wait3A_273 = tpu.memref_squeeze %dma_wait3A_272 : memref<1x128x64xf32, #tpu.memory_space<vmem>> -> memref<128x64xf32, #tpu.memory_space<vmem>>
    %dma_wait3A_274 = arith.constant 0 : i32
    %dma_wait3A_275 = tpu.memref_slice %arg9[%dma_wait3A_268, %dma_wait3A_274] : memref<4x128xi32, #tpu.memory_space<vmem>> -> memref<1x128xi32, #tpu.memory_space<vmem>>
    %dma_wait3A_276 = tpu.memref_squeeze %dma_wait3A_275 : memref<1x128xi32, #tpu.memory_space<vmem>> -> memref<128xi32, #tpu.memory_space<vmem>>
    %dma_wait3A_277 = arith.constant 0 : i32
    %dma_wait3A_278 = arith.constant 0 : i32
    %dma_wait3A_279 = tpu.memref_slice %arg13[%dma_wait3A_277, %dma_wait3A_278] : memref<7x64xf32, #tpu.memory_space<vmem_shared>> -> memref<7x64xf32, #tpu.memory_space<vmem_shared>>
    tpu.wait_indirect_dma semaphore(%arg16 : memref<!tpu.dma_semaphore, #tpu.memory_space<semaphore_mem>>) src(%dma_wait3A_279 : memref<7x64xf32, #tpu.memory_space<vmem_shared>>) dst(%dma_wait3A_273 : memref<128x64xf32, #tpu.memory_space<vmem>>)
    %dma_start3A_280 = arith.constant 1 : i32
    %dma_start3A_281 = arith.constant 0 : i32
    %dma_start3A_282 = arith.constant 0 : i32
    %dma_start3A_283 = tpu.memref_slice %arg11[%dma_start3A_280, %dma_start3A_281, %dma_start3A_282] : memref<4x128x64xf32, #tpu.memory_space<vmem>> -> memref<1x128x64xf32, #tpu.memory_space<vmem>>
    %dma_start3A_284 = tpu.memref_squeeze %dma_start3A_283 : memref<1x128x64xf32, #tpu.memory_space<vmem>> -> memref<128x64xf32, #tpu.memory_space<vmem>>
    %dma_start3A_285 = arith.constant 0 : i32
    %dma_start3A_286 = tpu.memref_slice %arg7[%add3A_267, %dma_start3A_285] : memref<16384x64xf32, #tpu.memory_space<hbm>> -> memref<128x64xf32, #tpu.memory_space<hbm>>
    %dma_start3A_287 = arith.constant 0 : i32
    %dma_start3A_288 = tpu.memref_slice %arg7[%add3A_267, %dma_start3A_287] : memref<16384x64xf32, #tpu.memory_space<hbm>> -> memref<128x64xf32, #tpu.memory_space<hbm>>
    %dma_start3A_289 = arith.constant 0 : i32
    %dma_start3A_290 = arith.constant 0 : i32
    %dma_start3A_291 = tpu.memref_slice %arg11[%dma_start3A_280, %dma_start3A_289, %dma_start3A_290] : memref<4x128x64xf32, #tpu.memory_space<vmem>> -> memref<1x128x64xf32, #tpu.memory_space<vmem>>
    %dma_start3A_292 = tpu.memref_squeeze %dma_start3A_291 : memref<1x128x64xf32, #tpu.memory_space<vmem>> -> memref<128x64xf32, #tpu.memory_space<vmem>>
    tpu.enqueue_dma source(%dma_start3A_292 : memref<128x64xf32, #tpu.memory_space<vmem>>) target(%dma_start3A_288 : memref<128x64xf32, #tpu.memory_space<hbm>>) target_semaphore(%arg17 : memref<!tpu.dma_semaphore, #tpu.memory_space<semaphore_mem>>)
    %add3A_293 = arith.constant 256 : i32
    %add3A_294 = arith.addi %mul3A_2, %add3A_293 : i32
    %dma_wait3A_295 = arith.constant 2 : i32
    %dma_wait3A_296 = arith.constant 2 : i32
    %dma_wait3A_297 = arith.constant 0 : i32
    %dma_wait3A_298 = arith.constant 0 : i32
    %dma_wait3A_299 = tpu.memref_slice %arg11[%dma_wait3A_296, %dma_wait3A_297, %dma_wait3A_298] : memref<4x128x64xf32, #tpu.memory_space<vmem>> -> memref<1x128x64xf32, #tpu.memory_space<vmem>>
    %dma_wait3A_300 = tpu.memref_squeeze %dma_wait3A_299 : memref<1x128x64xf32, #tpu.memory_space<vmem>> -> memref<128x64xf32, #tpu.memory_space<vmem>>
    %dma_wait3A_301 = arith.constant 0 : i32
    %dma_wait3A_302 = tpu.memref_slice %arg9[%dma_wait3A_295, %dma_wait3A_301] : memref<4x128xi32, #tpu.memory_space<vmem>> -> memref<1x128xi32, #tpu.memory_space<vmem>>
    %dma_wait3A_303 = tpu.memref_squeeze %dma_wait3A_302 : memref<1x128xi32, #tpu.memory_space<vmem>> -> memref<128xi32, #tpu.memory_space<vmem>>
    %dma_wait3A_304 = arith.constant 0 : i32
    %dma_wait3A_305 = arith.constant 0 : i32
    %dma_wait3A_306 = tpu.memref_slice %arg13[%dma_wait3A_304, %dma_wait3A_305] : memref<7x64xf32, #tpu.memory_space<vmem_shared>> -> memref<7x64xf32, #tpu.memory_space<vmem_shared>>
    tpu.wait_indirect_dma semaphore(%arg16 : memref<!tpu.dma_semaphore, #tpu.memory_space<semaphore_mem>>) src(%dma_wait3A_306 : memref<7x64xf32, #tpu.memory_space<vmem_shared>>) dst(%dma_wait3A_300 : memref<128x64xf32, #tpu.memory_space<vmem>>)
    %dma_start3A_307 = arith.constant 2 : i32
    %dma_start3A_308 = arith.constant 0 : i32
    %dma_start3A_309 = arith.constant 0 : i32
    %dma_start3A_310 = tpu.memref_slice %arg11[%dma_start3A_307, %dma_start3A_308, %dma_start3A_309] : memref<4x128x64xf32, #tpu.memory_space<vmem>> -> memref<1x128x64xf32, #tpu.memory_space<vmem>>
    %dma_start3A_311 = tpu.memref_squeeze %dma_start3A_310 : memref<1x128x64xf32, #tpu.memory_space<vmem>> -> memref<128x64xf32, #tpu.memory_space<vmem>>
    %dma_start3A_312 = arith.constant 0 : i32
    %dma_start3A_313 = tpu.memref_slice %arg7[%add3A_294, %dma_start3A_312] : memref<16384x64xf32, #tpu.memory_space<hbm>> -> memref<128x64xf32, #tpu.memory_space<hbm>>
    %dma_start3A_314 = arith.constant 0 : i32
    %dma_start3A_315 = tpu.memref_slice %arg7[%add3A_294, %dma_start3A_314] : memref<16384x64xf32, #tpu.memory_space<hbm>> -> memref<128x64xf32, #tpu.memory_space<hbm>>
    %dma_start3A_316 = arith.constant 0 : i32
    %dma_start3A_317 = arith.constant 0 : i32
    %dma_start3A_318 = tpu.memref_slice %arg11[%dma_start3A_307, %dma_start3A_316, %dma_start3A_317] : memref<4x128x64xf32, #tpu.memory_space<vmem>> -> memref<1x128x64xf32, #tpu.memory_space<vmem>>
    %dma_start3A_319 = tpu.memref_squeeze %dma_start3A_318 : memref<1x128x64xf32, #tpu.memory_space<vmem>> -> memref<128x64xf32, #tpu.memory_space<vmem>>
    tpu.enqueue_dma source(%dma_start3A_319 : memref<128x64xf32, #tpu.memory_space<vmem>>) target(%dma_start3A_315 : memref<128x64xf32, #tpu.memory_space<hbm>>) target_semaphore(%arg17 : memref<!tpu.dma_semaphore, #tpu.memory_space<semaphore_mem>>)
    %add3A_320 = arith.constant 384 : i32
    %add3A_321 = arith.addi %mul3A_2, %add3A_320 : i32
    %dma_wait3A_322 = arith.constant 3 : i32
    %dma_wait3A_323 = arith.constant 3 : i32
    %dma_wait3A_324 = arith.constant 0 : i32
    %dma_wait3A_325 = arith.constant 0 : i32
    %dma_wait3A_326 = tpu.memref_slice %arg11[%dma_wait3A_323, %dma_wait3A_324, %dma_wait3A_325] : memref<4x128x64xf32, #tpu.memory_space<vmem>> -> memref<1x128x64xf32, #tpu.memory_space<vmem>>
    %dma_wait3A_327 = tpu.memref_squeeze %dma_wait3A_326 : memref<1x128x64xf32, #tpu.memory_space<vmem>> -> memref<128x64xf32, #tpu.memory_space<vmem>>
    %dma_wait3A_328 = arith.constant 0 : i32
    %dma_wait3A_329 = tpu.memref_slice %arg9[%dma_wait3A_322, %dma_wait3A_328] : memref<4x128xi32, #tpu.memory_space<vmem>> -> memref<1x128xi32, #tpu.memory_space<vmem>>
    %dma_wait3A_330 = tpu.memref_squeeze %dma_wait3A_329 : memref<1x128xi32, #tpu.memory_space<vmem>> -> memref<128xi32, #tpu.memory_space<vmem>>
    %dma_wait3A_331 = arith.constant 0 : i32
    %dma_wait3A_332 = arith.constant 0 : i32
    %dma_wait3A_333 = tpu.memref_slice %arg13[%dma_wait3A_331, %dma_wait3A_332] : memref<7x64xf32, #tpu.memory_space<vmem_shared>> -> memref<7x64xf32, #tpu.memory_space<vmem_shared>>
    tpu.wait_indirect_dma semaphore(%arg16 : memref<!tpu.dma_semaphore, #tpu.memory_space<semaphore_mem>>) src(%dma_wait3A_333 : memref<7x64xf32, #tpu.memory_space<vmem_shared>>) dst(%dma_wait3A_327 : memref<128x64xf32, #tpu.memory_space<vmem>>)
    %dma_start3A_334 = arith.constant 3 : i32
    %dma_start3A_335 = arith.constant 0 : i32
    %dma_start3A_336 = arith.constant 0 : i32
    %dma_start3A_337 = tpu.memref_slice %arg11[%dma_start3A_334, %dma_start3A_335, %dma_start3A_336] : memref<4x128x64xf32, #tpu.memory_space<vmem>> -> memref<1x128x64xf32, #tpu.memory_space<vmem>>
    %dma_start3A_338 = tpu.memref_squeeze %dma_start3A_337 : memref<1x128x64xf32, #tpu.memory_space<vmem>> -> memref<128x64xf32, #tpu.memory_space<vmem>>
    %dma_start3A_339 = arith.constant 0 : i32
    %dma_start3A_340 = tpu.memref_slice %arg7[%add3A_321, %dma_start3A_339] : memref<16384x64xf32, #tpu.memory_space<hbm>> -> memref<128x64xf32, #tpu.memory_space<hbm>>
    %dma_start3A_341 = arith.constant 0 : i32
    %dma_start3A_342 = tpu.memref_slice %arg7[%add3A_321, %dma_start3A_341] : memref<16384x64xf32, #tpu.memory_space<hbm>> -> memref<128x64xf32, #tpu.memory_space<hbm>>
    %dma_start3A_343 = arith.constant 0 : i32
    %dma_start3A_344 = arith.constant 0 : i32
    %dma_start3A_345 = tpu.memref_slice %arg11[%dma_start3A_334, %dma_start3A_343, %dma_start3A_344] : memref<4x128x64xf32, #tpu.memory_space<vmem>> -> memref<1x128x64xf32, #tpu.memory_space<vmem>>
    %dma_start3A_346 = tpu.memref_squeeze %dma_start3A_345 : memref<1x128x64xf32, #tpu.memory_space<vmem>> -> memref<128x64xf32, #tpu.memory_space<vmem>>
    tpu.enqueue_dma source(%dma_start3A_346 : memref<128x64xf32, #tpu.memory_space<vmem>>) target(%dma_start3A_342 : memref<128x64xf32, #tpu.memory_space<hbm>>) target_semaphore(%arg17 : memref<!tpu.dma_semaphore, #tpu.memory_space<semaphore_mem>>)
    %dma_wait3A_347 = arith.constant 0 : i32
    %dma_wait3A_348 = arith.constant 0 : i32
    %dma_wait3A_349 = arith.constant 0 : i32
    %dma_wait3A_350 = tpu.memref_slice %arg10[%dma_wait3A_347, %dma_wait3A_348, %dma_wait3A_349] : memref<4x128x64xf32, #tpu.memory_space<vmem>> -> memref<1x128x64xf32, #tpu.memory_space<vmem>>
    %dma_wait3A_351 = tpu.memref_squeeze %dma_wait3A_350 : memref<1x128x64xf32, #tpu.memory_space<vmem>> -> memref<128x64xf32, #tpu.memory_space<vmem>>
    %dma_wait3A_352 = arith.constant 0 : i32
    %dma_wait3A_353 = tpu.memref_slice %arg6[%add3A_132, %dma_wait3A_352] : memref<16384x64xf32, #tpu.memory_space<hbm>> -> memref<128x64xf32, #tpu.memory_space<hbm>>
    %dma_wait3A_354 = arith.constant 0 : i32
    %dma_wait3A_355 = tpu.memref_slice %arg6[%add3A_132, %dma_wait3A_354] : memref<16384x64xf32, #tpu.memory_space<hbm>> -> memref<128x64xf32, #tpu.memory_space<hbm>>
    %dma_wait3A_356 = arith.constant 0 : i32
    %dma_wait3A_357 = arith.constant 0 : i32
    %dma_wait3A_358 = tpu.memref_slice %arg10[%dma_wait3A_347, %dma_wait3A_356, %dma_wait3A_357] : memref<4x128x64xf32, #tpu.memory_space<vmem>> -> memref<1x128x64xf32, #tpu.memory_space<vmem>>
    %dma_wait3A_359 = tpu.memref_squeeze %dma_wait3A_358 : memref<1x128x64xf32, #tpu.memory_space<vmem>> -> memref<128x64xf32, #tpu.memory_space<vmem>>
    tpu.wait_dma2 semaphore(%arg17 : memref<!tpu.dma_semaphore, #tpu.memory_space<semaphore_mem>>) src(%dma_wait3A_359 : memref<128x64xf32, #tpu.memory_space<vmem>>) dst(%dma_wait3A_355 : memref<128x64xf32, #tpu.memory_space<hbm>>)
    %dma_wait3A_360 = arith.constant 1 : i32
    %dma_wait3A_361 = arith.constant 0 : i32
    %dma_wait3A_362 = arith.constant 0 : i32
    %dma_wait3A_363 = tpu.memref_slice %arg10[%dma_wait3A_360, %dma_wait3A_361, %dma_wait3A_362] : memref<4x128x64xf32, #tpu.memory_space<vmem>> -> memref<1x128x64xf32, #tpu.memory_space<vmem>>
    %dma_wait3A_364 = tpu.memref_squeeze %dma_wait3A_363 : memref<1x128x64xf32, #tpu.memory_space<vmem>> -> memref<128x64xf32, #tpu.memory_space<vmem>>
    %dma_wait3A_365 = arith.constant 0 : i32
    %dma_wait3A_366 = tpu.memref_slice %arg6[%add3A_159, %dma_wait3A_365] : memref<16384x64xf32, #tpu.memory_space<hbm>> -> memref<128x64xf32, #tpu.memory_space<hbm>>
    %dma_wait3A_367 = arith.constant 0 : i32
    %dma_wait3A_368 = tpu.memref_slice %arg6[%add3A_159, %dma_wait3A_367] : memref<16384x64xf32, #tpu.memory_space<hbm>> -> memref<128x64xf32, #tpu.memory_space<hbm>>
    %dma_wait3A_369 = arith.constant 0 : i32
    %dma_wait3A_370 = arith.constant 0 : i32
    %dma_wait3A_371 = tpu.memref_slice %arg10[%dma_wait3A_360, %dma_wait3A_369, %dma_wait3A_370] : memref<4x128x64xf32, #tpu.memory_space<vmem>> -> memref<1x128x64xf32, #tpu.memory_space<vmem>>
    %dma_wait3A_372 = tpu.memref_squeeze %dma_wait3A_371 : memref<1x128x64xf32, #tpu.memory_space<vmem>> -> memref<128x64xf32, #tpu.memory_space<vmem>>
    tpu.wait_dma2 semaphore(%arg17 : memref<!tpu.dma_semaphore, #tpu.memory_space<semaphore_mem>>) src(%dma_wait3A_372 : memref<128x64xf32, #tpu.memory_space<vmem>>) dst(%dma_wait3A_368 : memref<128x64xf32, #tpu.memory_space<hbm>>)
    %dma_wait3A_373 = arith.constant 2 : i32
    %dma_wait3A_374 = arith.constant 0 : i32
    %dma_wait3A_375 = arith.constant 0 : i32
    %dma_wait3A_376 = tpu.memref_slice %arg10[%dma_wait3A_373, %dma_wait3A_374, %dma_wait3A_375] : memref<4x128x64xf32, #tpu.memory_space<vmem>> -> memref<1x128x64xf32, #tpu.memory_space<vmem>>
    %dma_wait3A_377 = tpu.memref_squeeze %dma_wait3A_376 : memref<1x128x64xf32, #tpu.memory_space<vmem>> -> memref<128x64xf32, #tpu.memory_space<vmem>>
    %dma_wait3A_378 = arith.constant 0 : i32
    %dma_wait3A_379 = tpu.memref_slice %arg6[%add3A_186, %dma_wait3A_378] : memref<16384x64xf32, #tpu.memory_space<hbm>> -> memref<128x64xf32, #tpu.memory_space<hbm>>
    %dma_wait3A_380 = arith.constant 0 : i32
    %dma_wait3A_381 = tpu.memref_slice %arg6[%add3A_186, %dma_wait3A_380] : memref<16384x64xf32, #tpu.memory_space<hbm>> -> memref<128x64xf32, #tpu.memory_space<hbm>>
    %dma_wait3A_382 = arith.constant 0 : i32
    %dma_wait3A_383 = arith.constant 0 : i32
    %dma_wait3A_384 = tpu.memref_slice %arg10[%dma_wait3A_373, %dma_wait3A_382, %dma_wait3A_383] : memref<4x128x64xf32, #tpu.memory_space<vmem>> -> memref<1x128x64xf32, #tpu.memory_space<vmem>>
    %dma_wait3A_385 = tpu.memref_squeeze %dma_wait3A_384 : memref<1x128x64xf32, #tpu.memory_space<vmem>> -> memref<128x64xf32, #tpu.memory_space<vmem>>
    tpu.wait_dma2 semaphore(%arg17 : memref<!tpu.dma_semaphore, #tpu.memory_space<semaphore_mem>>) src(%dma_wait3A_385 : memref<128x64xf32, #tpu.memory_space<vmem>>) dst(%dma_wait3A_381 : memref<128x64xf32, #tpu.memory_space<hbm>>)
    %dma_wait3A_386 = arith.constant 3 : i32
    %dma_wait3A_387 = arith.constant 0 : i32
    %dma_wait3A_388 = arith.constant 0 : i32
    %dma_wait3A_389 = tpu.memref_slice %arg10[%dma_wait3A_386, %dma_wait3A_387, %dma_wait3A_388] : memref<4x128x64xf32, #tpu.memory_space<vmem>> -> memref<1x128x64xf32, #tpu.memory_space<vmem>>
    %dma_wait3A_390 = tpu.memref_squeeze %dma_wait3A_389 : memref<1x128x64xf32, #tpu.memory_space<vmem>> -> memref<128x64xf32, #tpu.memory_space<vmem>>
    %dma_wait3A_391 = arith.constant 0 : i32
    %dma_wait3A_392 = tpu.memref_slice %arg6[%add3A_213, %dma_wait3A_391] : memref<16384x64xf32, #tpu.memory_space<hbm>> -> memref<128x64xf32, #tpu.memory_space<hbm>>
    %dma_wait3A_393 = arith.constant 0 : i32
    %dma_wait3A_394 = tpu.memref_slice %arg6[%add3A_213, %dma_wait3A_393] : memref<16384x64xf32, #tpu.memory_space<hbm>> -> memref<128x64xf32, #tpu.memory_space<hbm>>
    %dma_wait3A_395 = arith.constant 0 : i32
    %dma_wait3A_396 = arith.constant 0 : i32
    %dma_wait3A_397 = tpu.memref_slice %arg10[%dma_wait3A_386, %dma_wait3A_395, %dma_wait3A_396] : memref<4x128x64xf32, #tpu.memory_space<vmem>> -> memref<1x128x64xf32, #tpu.memory_space<vmem>>
    %dma_wait3A_398 = tpu.memref_squeeze %dma_wait3A_397 : memref<1x128x64xf32, #tpu.memory_space<vmem>> -> memref<128x64xf32, #tpu.memory_space<vmem>>
    tpu.wait_dma2 semaphore(%arg17 : memref<!tpu.dma_semaphore, #tpu.memory_space<semaphore_mem>>) src(%dma_wait3A_398 : memref<128x64xf32, #tpu.memory_space<vmem>>) dst(%dma_wait3A_394 : memref<128x64xf32, #tpu.memory_space<hbm>>)
    %dma_wait3A_399 = arith.constant 0 : i32
    %dma_wait3A_400 = arith.constant 0 : i32
    %dma_wait3A_401 = arith.constant 0 : i32
    %dma_wait3A_402 = tpu.memref_slice %arg11[%dma_wait3A_399, %dma_wait3A_400, %dma_wait3A_401] : memref<4x128x64xf32, #tpu.memory_space<vmem>> -> memref<1x128x64xf32, #tpu.memory_space<vmem>>
    %dma_wait3A_403 = tpu.memref_squeeze %dma_wait3A_402 : memref<1x128x64xf32, #tpu.memory_space<vmem>> -> memref<128x64xf32, #tpu.memory_space<vmem>>
    %dma_wait3A_404 = arith.constant 0 : i32
    %dma_wait3A_405 = tpu.memref_slice %arg7[%add3A_240, %dma_wait3A_404] : memref<16384x64xf32, #tpu.memory_space<hbm>> -> memref<128x64xf32, #tpu.memory_space<hbm>>
    %dma_wait3A_406 = arith.constant 0 : i32
    %dma_wait3A_407 = tpu.memref_slice %arg7[%add3A_240, %dma_wait3A_406] : memref<16384x64xf32, #tpu.memory_space<hbm>> -> memref<128x64xf32, #tpu.memory_space<hbm>>
    %dma_wait3A_408 = arith.constant 0 : i32
    %dma_wait3A_409 = arith.constant 0 : i32
    %dma_wait3A_410 = tpu.memref_slice %arg11[%dma_wait3A_399, %dma_wait3A_408, %dma_wait3A_409] : memref<4x128x64xf32, #tpu.memory_space<vmem>> -> memref<1x128x64xf32, #tpu.memory_space<vmem>>
    %dma_wait3A_411 = tpu.memref_squeeze %dma_wait3A_410 : memref<1x128x64xf32, #tpu.memory_space<vmem>> -> memref<128x64xf32, #tpu.memory_space<vmem>>
    tpu.wait_dma2 semaphore(%arg17 : memref<!tpu.dma_semaphore, #tpu.memory_space<semaphore_mem>>) src(%dma_wait3A_411 : memref<128x64xf32, #tpu.memory_space<vmem>>) dst(%dma_wait3A_407 : memref<128x64xf32, #tpu.memory_space<hbm>>)
    %dma_wait3A_412 = arith.constant 1 : i32
    %dma_wait3A_413 = arith.constant 0 : i32
    %dma_wait3A_414 = arith.constant 0 : i32
    %dma_wait3A_415 = tpu.memref_slice %arg11[%dma_wait3A_412, %dma_wait3A_413, %dma_wait3A_414] : memref<4x128x64xf32, #tpu.memory_space<vmem>> -> memref<1x128x64xf32, #tpu.memory_space<vmem>>
    %dma_wait3A_416 = tpu.memref_squeeze %dma_wait3A_415 : memref<1x128x64xf32, #tpu.memory_space<vmem>> -> memref<128x64xf32, #tpu.memory_space<vmem>>
    %dma_wait3A_417 = arith.constant 0 : i32
    %dma_wait3A_418 = tpu.memref_slice %arg7[%add3A_267, %dma_wait3A_417] : memref<16384x64xf32, #tpu.memory_space<hbm>> -> memref<128x64xf32, #tpu.memory_space<hbm>>
    %dma_wait3A_419 = arith.constant 0 : i32
    %dma_wait3A_420 = tpu.memref_slice %arg7[%add3A_267, %dma_wait3A_419] : memref<16384x64xf32, #tpu.memory_space<hbm>> -> memref<128x64xf32, #tpu.memory_space<hbm>>
    %dma_wait3A_421 = arith.constant 0 : i32
    %dma_wait3A_422 = arith.constant 0 : i32
    %dma_wait3A_423 = tpu.memref_slice %arg11[%dma_wait3A_412, %dma_wait3A_421, %dma_wait3A_422] : memref<4x128x64xf32, #tpu.memory_space<vmem>> -> memref<1x128x64xf32, #tpu.memory_space<vmem>>
    %dma_wait3A_424 = tpu.memref_squeeze %dma_wait3A_423 : memref<1x128x64xf32, #tpu.memory_space<vmem>> -> memref<128x64xf32, #tpu.memory_space<vmem>>
    tpu.wait_dma2 semaphore(%arg17 : memref<!tpu.dma_semaphore, #tpu.memory_space<semaphore_mem>>) src(%dma_wait3A_424 : memref<128x64xf32, #tpu.memory_space<vmem>>) dst(%dma_wait3A_420 : memref<128x64xf32, #tpu.memory_space<hbm>>)
    %dma_wait3A_425 = arith.constant 2 : i32
    %dma_wait3A_426 = arith.constant 0 : i32
    %dma_wait3A_427 = arith.constant 0 : i32
    %dma_wait3A_428 = tpu.memref_slice %arg11[%dma_wait3A_425, %dma_wait3A_426, %dma_wait3A_427] : memref<4x128x64xf32, #tpu.memory_space<vmem>> -> memref<1x128x64xf32, #tpu.memory_space<vmem>>
    %dma_wait3A_429 = tpu.memref_squeeze %dma_wait3A_428 : memref<1x128x64xf32, #tpu.memory_space<vmem>> -> memref<128x64xf32, #tpu.memory_space<vmem>>
    %dma_wait3A_430 = arith.constant 0 : i32
    %dma_wait3A_431 = tpu.memref_slice %arg7[%add3A_294, %dma_wait3A_430] : memref<16384x64xf32, #tpu.memory_space<hbm>> -> memref<128x64xf32, #tpu.memory_space<hbm>>
    %dma_wait3A_432 = arith.constant 0 : i32
    %dma_wait3A_433 = tpu.memref_slice %arg7[%add3A_294, %dma_wait3A_432] : memref<16384x64xf32, #tpu.memory_space<hbm>> -> memref<128x64xf32, #tpu.memory_space<hbm>>
    %dma_wait3A_434 = arith.constant 0 : i32
    %dma_wait3A_435 = arith.constant 0 : i32
    %dma_wait3A_436 = tpu.memref_slice %arg11[%dma_wait3A_425, %dma_wait3A_434, %dma_wait3A_435] : memref<4x128x64xf32, #tpu.memory_space<vmem>> -> memref<1x128x64xf32, #tpu.memory_space<vmem>>
    %dma_wait3A_437 = tpu.memref_squeeze %dma_wait3A_436 : memref<1x128x64xf32, #tpu.memory_space<vmem>> -> memref<128x64xf32, #tpu.memory_space<vmem>>
    tpu.wait_dma2 semaphore(%arg17 : memref<!tpu.dma_semaphore, #tpu.memory_space<semaphore_mem>>) src(%dma_wait3A_437 : memref<128x64xf32, #tpu.memory_space<vmem>>) dst(%dma_wait3A_433 : memref<128x64xf32, #tpu.memory_space<hbm>>)
    %dma_wait3A_438 = arith.constant 3 : i32
    %dma_wait3A_439 = arith.constant 0 : i32
    %dma_wait3A_440 = arith.constant 0 : i32
    %dma_wait3A_441 = tpu.memref_slice %arg11[%dma_wait3A_438, %dma_wait3A_439, %dma_wait3A_440] : memref<4x128x64xf32, #tpu.memory_space<vmem>> -> memref<1x128x64xf32, #tpu.memory_space<vmem>>
    %dma_wait3A_442 = tpu.memref_squeeze %dma_wait3A_441 : memref<1x128x64xf32, #tpu.memory_space<vmem>> -> memref<128x64xf32, #tpu.memory_space<vmem>>
    %dma_wait3A_443 = arith.constant 0 : i32
    %dma_wait3A_444 = tpu.memref_slice %arg7[%add3A_321, %dma_wait3A_443] : memref<16384x64xf32, #tpu.memory_space<hbm>> -> memref<128x64xf32, #tpu.memory_space<hbm>>
    %dma_wait3A_445 = arith.constant 0 : i32
    %dma_wait3A_446 = tpu.memref_slice %arg7[%add3A_321, %dma_wait3A_445] : memref<16384x64xf32, #tpu.memory_space<hbm>> -> memref<128x64xf32, #tpu.memory_space<hbm>>
    %dma_wait3A_447 = arith.constant 0 : i32
    %dma_wait3A_448 = arith.constant 0 : i32
    %dma_wait3A_449 = tpu.memref_slice %arg11[%dma_wait3A_438, %dma_wait3A_447, %dma_wait3A_448] : memref<4x128x64xf32, #tpu.memory_space<vmem>> -> memref<1x128x64xf32, #tpu.memory_space<vmem>>
    %dma_wait3A_450 = tpu.memref_squeeze %dma_wait3A_449 : memref<1x128x64xf32, #tpu.memory_space<vmem>> -> memref<128x64xf32, #tpu.memory_space<vmem>>
    tpu.wait_dma2 semaphore(%arg17 : memref<!tpu.dma_semaphore, #tpu.memory_space<semaphore_mem>>) src(%dma_wait3A_450 : memref<128x64xf32, #tpu.memory_space<vmem>>) dst(%dma_wait3A_446 : memref<128x64xf32, #tpu.memory_space<hbm>>)
    return
  }
}

</mosaic_0001>

<sc_bundles>
// kernel: kernel.3.cloned.1.call-start
scs
__scs_entry_jumppad:
0x0: {  	(pc) =	sbr.rel $0x88, $3  }
0x1: {  	(tag) =	ssettag $0x0;
	lr =	simm.s32 $0x1  }
0x2: {  	[smem:$0x3F9D] =	sst lr;
	_ =	strace $0xD0000000  }
0x3: {  	_ = 	snop  }
0x4: {  	_ = 	snop  }
0x5: {  	_ = 	snop  }
0x6: {  	_ = 	snop  }
0x7: {  	_ = 	snop  }
__scs_overlays_trampoline_lowered:
0x8: {  	[smem:$0x3FAC] =	sst s0  }
0x9: {  	[smem:$0x3FAD] =	sst s1  }
0xa: {  	[smem:$0x3FAE] =	sst s2  }
0xb: {  	[smem:$0x3FAF] =	sst s3  }
0xc: {  	[smem:$0x3FB0] =	sst s4  }
0xd: {  	[smem:$0x3FB1] =	sst s5  }
0xe: {  	[smem:$0x3FB2] =	sst s6  }
0xf: {  	[smem:$0x3FB3] =	sst s7  }
0x10: {  	[smem:$0x3FB4] =	sst s8  }
0x11: {  	[smem:$0x3FB5] =	sst s9;
	s0 =	simm.s32 @!p0 $0x0  }
0x12: {  	s1 =	sld [smem:$0x3F9B];
	s0 =	simm.s32 @p0 $0x1  }
0x13: {  	[smem:$0x3FB6] =	sst s0;
	s0 =	simm.s32 @!p1 $0x0  }
0x14: {  	s2 =	sld [smem:$0x3F9A];
	s0 =	simm.s32 @p1 $0x1  }
0x15: {  	[smem:$0x3FB7] =	sst s0;
	s0 =	simm.s32 @!p2 $0x0  }
0x16: {  	s3 =	sld [smem:$0x3FDB];
	s0 =	simm.s32 @p2 $0x1  }
0x17: {  	s4 =	simm.s32 $0x1BF5;
	[smem:$0x3FB9] =	sst s0  }
0x18: {  	s0 =	sld [smem:$0x3F9C];
	_ =	swait.ge [sflag:s4], $0x0  }
0x19: {  	s7 =	sld [smem:$0x3F9D]  }
0x1a: {  	s8 =	sadd.s32 $0xFFFFE003, lr  }
0x1b: {  	s9 =	sadd.s32 $0xFFFFFEF7, lr;
	s5 =	simm.s32 $0xFFFFFFFF;
	p2 =	slt.u32 s8, $0xFFFFF086  }
0x1c: {  	p1 =	slt.u32 s9, $0xF7A;
	s5 =	simm.s32 @!p2 $0x0  }
0x1d: {  	s5 =	simm.s32 @p1 $0x1;
	p0 =	seq.s32 s7, s2  }
0x1e: {  	s7 =	smul.u32 @!p0 $0xF7A, s2;
	p2 =	seq.s32 @!p0 s5, $0x0  }
0x1f: {  	s9 =	smul.u32 $0xF7A, s1;
	s8 =	simm.s32 @!p0 $0x1BF5;
	p2 =	por !p2, p0  }
0x20: {  	[sflag:s8] =	ssyncset.s32 @!p0 $0xFFFFF086;
	s6 =	sadd.s32 @!p0 s3, s7;
	s7 =	simm.s32 @!p0 $0x108  }
0x21: {  	s3 =	sadd.s32 s3, s9;
	s6 =	sadd.s32 @!p0 $0x88, s6;
	s7 =	simm.s32 @p2 $0x1082  }
0x22: {  	[simem:s7], [sflag:s8] =	dma.local @!p0 [hbm:s6], $0xF7A  }
0x23: {  	s9 =	sor.u32 $0xD0000000, s2;
	s6 =	simm.s32 $0x108;
	_ =	swait.ge @!p0 [sflag:s8], $0x0  }
0x24: {  	s3 =	sadd.s32 $0x88, s3;
	s6 =	simm.s32 @!p1 $0x1082;
	[sflag:s4] =	ssyncset.s32 $0xFFFFF086  }
0x25: {  	[simem:s6], [sflag:s4] =	dma.local [hbm:s3], $0xF7A  }
0x26: {  	[smem:$0x3F9D] =	sst s1;
	(tag) =	ssettag s2;
	_ =	strace s9  }
0x27: {  	s1 =	sld [smem:$0x3FAD]  }
0x28: {  	s2 =	sld [smem:$0x3FAE]  }
0x29: {  	s4 =	sld [smem:$0x3FB0]  }
0x2a: {  	p0 =	seq.s32 s5, $0x0;
	s5 =	sld [smem:$0x3FB1]  }
0x2b: {  	s6 =	sld [smem:$0x3FB2]  }
0x2c: {  	s7 =	sld [smem:$0x3FB3]  }
0x2d: {  	s3 =	simm.s32 $0x108;
	s8 =	sld [smem:$0x3FB4]  }
0x2e: {  	s3 =	simm.s32 @!p0 $0x1082;
	s9 =	sld [smem:$0x3FB5]  }
0x2f: {  	lr =	sadd.s32 s0, s3;
	s0 =	sld [smem:$0x3FAC]  }
0x30: {  	s3 =	sld [smem:$0x3FAF]  }
0x31: {  	[smem:$0x3FB8] =	sst s10  }
0x32: {  	s10 =	sld [smem:$0x3FB6];
	_ =	sdelay $0x3  }
0x33: {  	p0 =	seq.s32 s10, $0x1;
	s10 =	sld [smem:$0x3FB8];
	_ =	sdelay $0x3  }
0x34: {  	[smem:$0x3FB8] =	sst s10  }
0x35: {  	s10 =	sld [smem:$0x3FB7];
	_ =	sdelay $0x3  }
0x36: {  	p1 =	seq.s32 s10, $0x1;
	s10 =	sld [smem:$0x3FB8];
	_ =	sdelay $0x3  }
0x37: {  	[smem:$0x3FB8] =	sst s10  }
0x38: {  	s10 =	sld [smem:$0x3FB9]  }
0x39: {  	_ = 	snop;
	(pc) =	sbr.ind lr, $3  }
0x3a: {  	_ = 	snop  }
0x3b: {  	_ = 	snop  }
0x3c: {  	p2 =	seq.s32 s10, $0x1;
	s10 =	sld [smem:$0x3FB8]  }
0x3d: {  	_ =	shalt  }
0x3e: {  	_ =	shalt  }
0x3f: {  	_ =	shalt  }
0x40: {  	_ =	shalt  }
0x41: {  	_ =	shalt  }
0x42: {  	_ =	shalt  }
0x43: {  	_ =	shalt  }
0x44: {  	_ =	shalt  }
0x45: {  	_ =	shalt  }
0x46: {  	_ =	shalt  }
0x47: {  	_ =	shalt  }
0x48: {  	_ =	shalt  }
0x49: {  	_ =	shalt  }
0x4a: {  	_ =	shalt  }
0x4b: {  	_ =	shalt  }
0x4c: {  	_ =	shalt  }
0x4d: {  	_ =	shalt  }
0x4e: {  	_ =	shalt  }
0x4f: {  	_ =	shalt  }
0x50: {  	_ =	shalt  }
0x51: {  	_ =	shalt  }
0x52: {  	_ =	shalt  }
0x53: {  	_ =	shalt  }
0x54: {  	_ =	shalt  }
0x55: {  	_ =	shalt  }
0x56: {  	_ =	shalt  }
0x57: {  	_ =	shalt  }
0x58: {  	_ =	shalt  }
0x59: {  	_ =	shalt  }
0x5a: {  	_ =	shalt  }
0x5b: {  	_ =	shalt  }
0x5c: {  	_ =	shalt  }
0x5d: {  	_ =	shalt  }
0x5e: {  	_ =	shalt  }
0x5f: {  	_ =	shalt  }
0x60: {  	_ =	shalt  }
0x61: {  	_ =	shalt  }
0x62: {  	_ =	shalt  }
0x63: {  	_ =	shalt  }
0x64: {  	_ =	shalt  }
0x65: {  	_ =	shalt  }
0x66: {  	_ =	shalt  }
0x67: {  	_ =	shalt  }
0x68: {  	_ =	shalt  }
0x69: {  	_ =	shalt  }
0x6a: {  	_ =	shalt  }
0x6b: {  	_ =	shalt  }
0x6c: {  	_ =	shalt  }
0x6d: {  	_ =	shalt  }
0x6e: {  	_ =	shalt  }
0x6f: {  	_ =	shalt  }
0x70: {  	_ =	shalt  }
0x71: {  	_ =	shalt  }
0x72: {  	_ =	shalt  }
0x73: {  	_ =	shalt  }
0x74: {  	_ =	shalt  }
0x75: {  	_ =	shalt  }
0x76: {  	_ =	shalt  }
0x77: {  	_ =	shalt  }
0x78: {  	_ =	shalt  }
0x79: {  	_ =	shalt  }
0x7a: {  	_ =	shalt  }
0x7b: {  	_ =	shalt  }
0x7c: {  	_ =	shalt  }
0x7d: {  	_ =	shalt  }
0x7e: {  	_ =	shalt  }
0x7f: {  	_ =	shalt  }
0x80: {  	_ =	shalt  }
0x81: {  	_ =	shalt  }
0x82: {  	_ =	shalt  }
0x83: {  	_ =	shalt  }
0x84: {  	_ =	shalt  }
0x85: {  	_ =	shalt  }
0x86: {  	_ =	shalt  }
0x87: {  	_ =	shalt  }
.Lfunc_end0:
.L_simem_size_0:
called_computation_lowered:
.L_overlay_start_0:
0x88: {  	s2 =	sld [smem:$0x3FD9]  }
0x89: {  	s3 =	sld [smem:$0x3FFE];
	_ =	sdelay $0x1  }
0x8a: {  	s1 =	srdreg.scid  }
0x8b: {  	s0 =	sand.u32 $0x1, s1  }
0x8c: {  	s14 =	sshll.u32 s0, $0xA;
	s2 =	sadd.s32 s3, s2  }
0x8d: {  	s2 =	sadd.s32 s2, s14  }
0x8e: {  	[smem:$0x3FC4] =	sst s2  }
0x8f: {  	_ = 	snop  }
0x90: {  	s2 =	sld [smem:$0x3FD0];
	_ =	sdelay $0x1  }
0x91: {  	s15 =	sld [smem:$0x3FC9]  }
0x92: {  	s5 =	simm.s32 $0xA;
	s6 =	simm.s32 $0x10;
	s4 =	sld [smem:$0x3FC8]  }
0x93: {  	[smem:s6], [sflag:s5] =	dma.local [hbm:s2], $0x1  }
0x94: {  	_ =	swait.eq [sflag:s5], $0x1  }
0x95: {  	[sflag:s5] =	ssyncset.done $0x0  }
0x96: {  	s16 =	sld [smem:$0x10];
	[sflag:s5] =	ssyncadd.s32 $0xFFFFFFFF  }
0x97: {  	s17 =	sld [smem:$0x11];
	(tm) =	ssettm $0x1  }
0x98: {  	s18 =	sld [smem:$0x3FFB];
	_ =	sdelay $0x3  }
0x99: {  	_ =	strace s18  }
0x9a: {  	s6 =	sld [smem:$0x3FFC];
	_ =	sdelay $0x3  }
0x9b: {  	_ =	strace s6  }
0x9c: {  	s6 =	sld [smem:$0x3FFD];
	_ =	sdelay $0x3  }
0x9d: {  	_ =	strace s6  }
0x9e: {  	_ =	strace $0x8FFFFFFF  }
0x9f: {  	s19 =	sld [smem:$0x3FDB];
	_ =	sdelay $0x1  }
0xa0: {  	s7 =	simm.s32 $_scs_section_size  }
0xa1: {  	s8 =	simm.s32 $_size__tile_overlayer_lowered;
	s9 =	simm.s32 $_tile_overlayer_lowered  }
0xa2: {  	s22 =	simm.s32 $0x1BFF;
	s21 =	sshll.u32 s9, $0x1;
	s6 =	sadd.s32 s7, s19  }
0xa3: {  	s10 =	simm.s32 $0x0;
	s20 =	sshll.u32 s8, $0x1;
	s8 =	sadd.s32 s21, s6  }
0xa4: {  	[timem:s10], [sflag:s22] =	dma.local [hbm:s8], s20  }
0xa5: {  	_ =	swait.ge [sflag:s22], s20  }
0xa6: {  	s7 =	ssub.s32 $0x0, s20;
	[sflag:s22] =	ssyncset.done $0x0  }
0xa7: {  	[sflag:s22] =	ssyncadd.s32 s7;
	_ =	sdelay $0x1  }
0xa8: {  	s23 =	simm.s32 $0x1B8B  }
0xa9: {  	_ =	swait.ge [sflag:s23], $0x1  }
0xaa: {  	[sflag:s23] =	ssyncset.done $0x0  }
0xab: {  	s25 =	simm.s32 $0x1B8E;
	s24 =	sld [smem:$0x3FFE];
	[sflag:s23] =	ssyncadd.s32 $0xFFFFFFFF  }
0xac: {  	s26 =	simm.s32 $execute0_lowered;
	[smem:$0x3FD2] =	sst s25  }
0xad: {  	s8 =	sshll.u32 s26, $0x1;
	_ =	strace $0x80000046;
	[dreg:$0x1] =	wrdreg $0xFFFFFFFF  }
0xae: {  	s28 =	simm.s32 $_size_execute0_lowered;
	s6 =	sadd.s32 s6, s8;
	[dreg:$0x0] =	wrdreg $0x0  }
0xaf: {  	s8 =	sshll.u32 s28, $0x1;
	[dreg:$0x2] =	wrdreg s6  }
0xb0: {  	[dreg:$0x3] =	wrdreg s8  }
0xb1: {  	[dreg:$0x4] =	wrdreg $0xC0  }
0xb2: {  	_ =	task [dreg:s10], $0x5FFFF  }
0xb3: {  	[dreg:$0x1] =	wrdreg $0xFFFFFFFF  }
0xb4: {  	[dreg:$0x0] =	wrdreg $0x60  }
0xb5: {  	[dreg:$0x2] =	wrdreg s15  }
0xb6: {  	[dreg:$0x3] =	wrdreg s4  }
0xb7: {  	[dreg:$0x4] =	wrdreg s24  }
0xb8: {  	[dreg:$0x5] =	wrdreg s16  }
0xb9: {  	[dreg:$0x6] =	wrdreg s17  }
0xba: {  	[dreg:$0x7] =	wrdreg $0x104000  }
0xbb: {  	[dreg:$0x8] =	wrdreg $0x108800  }
0xbc: {  	[dreg:$0x9] =	wrdreg $0x9  }
0xbd: {  	_ =	task.clear_ibuf [dreg:s10], $0xAFFFF;
	_ =	strace $0x90000046  }
0xbe: {  	s29 =	simm.s32 $0x9;
	_ =	strace $0x80000048  }
0xbf: {  	_ =	swait.ge [sflag:s29], $0x1  }
0xc0: {  	[sflag:s29] =	ssyncadd.s32 $0xFFFFFFFF  }
0xc1: {  	_ =	strace $0x90000048  }
0xc2: {  	_ =	sfence  }
0xc3: {  	s30 =	sld [smem:$0x0];
	_ =	sdelay $0x2  }
0xc4: {  	s31 =	sshll.u32 s1, $0xD;
	s1 =	sshrl.u32 s1, $0x2  }
0xc5: {  	s3 =	sand.u32 $0x4000, s31;
	s1 =	sadd.s32 s1, s30  }
0xc6: {  	s0 =	sor.u32 s3, s0;
	s1 =	sshll.u32 s1, $0x11  }
0xc7: {  	s0 =	sor.u32 s1, s0  }
0xc8: {  	s0 =	sadd.s32 $0x8F2B, s0  }
0xc9: {  	[sflag:s0] =	ssyncadd.remote.s32 $0x1  }
0xca: {  	_ =	sfence.sel $0xFFFF  }
0xcb: {  	[dreg:$0x0] =	wrdreg $0xFFFFFFFF;
	(pc) =	sbr.abs _section_cstart, $3  }
0xcc: {  	[dreg:$0x1] =	wrdreg $0xFFFFFFFF  }
0xcd: {  	_ =	task.clear_ibuf [dreg:s10], $0x2FFFF;
	_ =	strace $0x9FFFFFFF  }
0xce: {  	(tm) =	ssettm $0x7FFFFFFF  }
0xcf: {  	_ =	shalt  }
tec
execute0_lowered:
.L_overlay_start_1:
0x0: {  	(tag) =	ssettag $0x1  }
0x1: {  	s0 =	rddreg [dreg:$0x0]  }
0x2: {  	s3 =	rddreg [dreg:$0x1]  }
0x3: {  	s5 =	rddreg [dreg:$0x2]  }
0x4: {  	s6 =	rddreg [dreg:$0x3]  }
0x5: {  	s9 =	rddreg [dreg:$0x4]  }
0x6: {  	s4 =	rddreg [dreg:$0x5]  }
0x7: {  	s2 =	rddreg [dreg:$0x6]  }
0x8: {  	s22 =	rddreg [dreg:$0x7]  }
0x9: {  	s7 =	srdreg.scid;
	s1 =	simm.s32 $0x0;
	s10 =	stileid.u32  }
0xa: {  	s15 =	simm.s32 $0x4400;
	s14 =	simm.s32 $0x6400;
	s13 =	simm.s32 $0x8400  }
0xb: {  	s30 =	simm.s32 $0x380;
	p1 =	por $0x0, $0x0;
	s7 =	sand.u32 $0x1, s7  }
0xc: {  	[smem:$0x7FF] =	sst s1;
	s8 =	sshll.u32 s10, $0xA;
	s12 =	sadd.s32 $0xC00, s5  }
0xd: {  	s5 =	sadd.s32 $0xA00, s5;
	p0 =	sne.s32 s10, $0x0;
	s10 =	simm.s32 $0xE400  }
0xe: {  	s11 =	sshll.u32 s7, $0x9;
	_ =	strace $0x80000047;
	[dreg:$0x8] =	wrdreg s12  }
0xf: {  	[dreg:$0x9] =	wrdreg s5;
	s16 =	ssub.s32 $0x2, s7;
	s28 =	sshrl.u32 @!p0 s4, $0x3  }
0x10: {  	s12 =	simm.s32 $0x3;
	s8 =	sor.u32 s11, s8;
	s26 =	sshrl.u32 s16, $0x1  }
0x11: {  	s11 =	sshrl.u32 s8, $0x3;
	s18 =	sshll.u32 s8, $0x3;
	s5 =	ssub.s32 s16, s26  }
0x12: {  	s26 =	sshrl.u32 @!p0 s2, $0x3;
	s16 =	simm.s32 $0x2400;
	s0 =	sadd.s32 s0, s11  }
0x13: {  	s17 =	sadd.s32 s3, s11;
	s19 =	sadd.s32 s6, s18;
	s20 =	sor.u32 $0x400, s18  }
0x14: {  	s23 =	sor.u32 $0x800, s18;
	s25 =	sor.u32 $0xC00, s18;
	s8 =	sadd.s32 s9, s18  }
0x15: {  	s31 =	smax.u32 s5, $0x1;
	s18 =	simm.s32 $0x200;
	[dreg:$0xa] =	wrdreg s0  }
0x16: {  	s11 =	simm.s32 $0xA400;
	[dreg:$0xb] =	wrdreg s17;
	s21 =	sadd.s32 s6, s20  }
0x17: {  	s5 =	simm.s32 $0x4;
	[dreg:$0xd] =	wrdreg s21;
	s21 =	sadd.s32 $0xFFFFFFFF, s31  }
0x18: {  	[dreg:$0xc] =	wrdreg s19;
	s24 =	sadd.s32 s6, s23;
	p2 =	sne.s32 s21, $0x0  }
.Ltmp0:
0x19: {  	s29 =	sadd.s32 s6, s25;
	s7 =	sadd.s32 s9, s20;
	(pc) =	sbr.rel @!p2 .LBB2_1-.Ltmp0, $4  }
0x1a: {  	s6 =	sadd.s32 s9, s23;
	s3 =	sadd.s32 s9, s25;
	s20 =	simm.s32 $0x1  }
0x1b: {  	s19 =	simm.s32 $0x80;
	s17 =	simm.s32 $0x400;
	[dreg:$0xe] =	wrdreg s24  }
0x1c: {  	s23 =	simm.s32 $0x180;
	s25 =	simm.s32 $0x300;
	[dreg:$0xf] =	wrdreg s29  }
0x1d: {  	s9 =	simm.s32 $0xC400;
	s24 =	simm.s32 $0x280;
	s0 =	rddreg [dreg:$0xa]  }
0x1e: {  	[dreg:$0x10] =	wrdreg s21  }
0x1f: {  	s30 =	rddreg [dreg:$0x8]  }
0x20: {  	[tilespmem:s1], [sflag:$0x1] =	stream.linear.gather [hbm4b:s0+s1], $0x200, $0x38;
	[tilespmem:$0x108A0] =	vst v63  }
0x21: {  	s31 =	rddreg [dreg:$0xb];
	s29 =	simm.s32 @!p0 $0x1C02  }
0x22: {  	[tilespmem:s18], [sflag:$0x1] =	stream.linear.gather [hbm4b:s31+s1], $0x200, $0x38;
	[tilespmem:$0x108A0] =	vst v63  }
0x23: {  	[spmem:s28], [sflag:s29] =	dma.local @!p0 [hbm:s30], $0x900  }
0x24: {  	s30 =	simm.s32 @!p0 $0x2;
	s0 =	rddreg [dreg:$0x9]  }
0x25: {  	[spmem:s26], [sflag:s29] =	dma.local @!p0 [hbm:s0], $0x38  }
0x26: {  	_ =	swait.ge @!p0 [sflag:s30], $0x900  }
0x27: {  	[sflag:s30] =	ssyncset.done @!p0 $0x0  }
0x28: {  	[sflag:s30] =	ssyncadd.s32 @!p0 $0xFFFFF700  }
0x29: {  	_ =	swait.ge @!p0 [sflag:s30], $0x38  }
0x2a: {  	[sflag:s30] =	ssyncset.done @!p0 $0x0  }
0x2b: {  	[sflag:s30] =	ssyncadd.s32 @!p0 $0xFFFFFFC8  }
0x2c: {  	[bflag:$0x0] =	sbarrier.arrive $0xFFFF  }
0x2d: {  	_ =	swait.ge [sflag:s20], $0x200  }
0x2e: {  	[sflag:s20] =	ssyncset.done $0x0  }
0x2f: {  	[sflag:s20] =	ssyncadd.s32 $0xFFFFFE00  }
0x30: {  	_ =	swait.ge [sflag:s20], $0x200  }
0x31: {  	[sflag:s20] =	ssyncset.done $0x0  }
0x32: {  	[sflag:s20] =	ssyncadd.s32 $0xFFFFFE00  }
0x33: {  	[tilespmem:s17], [sflag:$0x3] =	stream.indirect.gather [spmem:s4], $0x40, s1, s19, $0xb8;
	[tilespmem:$0x108A0] =	vst v63  }
0x34: {  	_ = 	snop  }
0x35: {  	[tilespmem:s16], [sflag:$0x3] =	stream.indirect.gather [spmem:s4], $0x40, s19, s19, $0xb8;
	[tilespmem:$0x108A0] =	vst v63  }
0x36: {  	s23 =	simm.s32 $0x100  }
0x37: {  	[tilespmem:s15], [sflag:$0x3] =	stream.indirect.gather [spmem:s4], $0x40, s23, s19, $0xb8;
	[tilespmem:$0x108A0] =	vst v63  }
0x38: {  	s22 =	simm.s32 $0x180  }
0x39: {  	[tilespmem:s14], [sflag:$0x3] =	stream.indirect.gather [spmem:s4], $0x40, s22, s19, $0xb8;
	[tilespmem:$0x108A0] =	vst v63  }
0x3a: {  	_ = 	snop  }
0x3b: {  	[tilespmem:s13], [sflag:$0x3] =	stream.indirect.gather [spmem:s2], $0x40, s18, s19, $0xb8;
	[tilespmem:$0x108A0] =	vst v63  }
0x3c: {  	s21 =	simm.s32 $0x280  }
0x3d: {  	[tilespmem:s11], [sflag:$0x3] =	stream.indirect.gather [spmem:s2], $0x40, s21, s19, $0xb8;
	[tilespmem:$0x108A0] =	vst v63  }
0x3e: {  	s24 =	simm.s32 $0x300  }
0x3f: {  	[tilespmem:s9], [sflag:$0x3] =	stream.indirect.gather [spmem:s2], $0x40, s24, s19, $0xb8;
	[tilespmem:$0x108A0] =	vst v63  }
0x40: {  	s21 =	simm.s32 $0x380  }
0x41: {  	[tilespmem:s10], [sflag:$0x3] =	stream.indirect.gather [spmem:s2], $0x40, s21, s19, $0xb8;
	[tilespmem:$0x108A0] =	vst v63  }
0x42: {  	_ =	swait.ge [sflag:s12], $0x2000  }
0x43: {  	[sflag:s12] =	ssyncset.done $0x0  }
0x44: {  	s22 =	rddreg [dreg:$0xc];
	[sflag:s12] =	ssyncadd.s32 $0xFFFFE000  }
0x45: {  	[hbm4b:s22+s1] =	stream.linear.scatter [tilespmem:s17], [sflag:$0x4], $0x2000, $0x38;
	[tilespmem:$0x108A0] =	vst v63  }
0x46: {  	_ =	swait.ge [sflag:s12], $0x2000  }
0x47: {  	[sflag:s12] =	ssyncset.done $0x0  }
0x48: {  	s21 =	rddreg [dreg:$0xd];
	[sflag:s12] =	ssyncadd.s32 $0xFFFFE000  }
0x49: {  	[hbm4b:s21+s1] =	stream.linear.scatter [tilespmem:s16], [sflag:$0x4], $0x2000, $0x38;
	[tilespmem:$0x108A0] =	vst v63  }
0x4a: {  	_ =	swait.ge [sflag:s12], $0x2000  }
0x4b: {  	[sflag:s12] =	ssyncset.done $0x0  }
0x4c: {  	s22 =	rddreg [dreg:$0xe];
	[sflag:s12] =	ssyncadd.s32 $0xFFFFE000  }
0x4d: {  	[hbm4b:s22+s1] =	stream.linear.scatter [tilespmem:s15], [sflag:$0x4], $0x2000, $0x38;
	[tilespmem:$0x108A0] =	vst v63  }
0x4e: {  	_ =	swait.ge [sflag:s12], $0x2000  }
0x4f: {  	[sflag:s12] =	ssyncset.done $0x0  }
0x50: {  	s21 =	rddreg [dreg:$0xf];
	[sflag:s12] =	ssyncadd.s32 $0xFFFFE000  }
0x51: {  	[hbm4b:s21+s1] =	stream.linear.scatter [tilespmem:s14], [sflag:$0x4], $0x2000, $0x38;
	[tilespmem:$0x108A0] =	vst v63  }
0x52: {  	_ =	swait.ge [sflag:s12], $0x2000  }
0x53: {  	[sflag:s12] =	ssyncset.done $0x0  }
0x54: {  	[sflag:s12] =	ssyncadd.s32 $0xFFFFE000  }
0x55: {  	[hbm4b:s8+s1] =	stream.linear.scatter [tilespmem:s13], [sflag:$0x4], $0x2000, $0x38;
	[tilespmem:$0x108A0] =	vst v63  }
0x56: {  	_ =	swait.ge [sflag:s12], $0x2000  }
0x57: {  	[sflag:s12] =	ssyncset.done $0x0  }
0x58: {  	[sflag:s12] =	ssyncadd.s32 $0xFFFFE000  }
0x59: {  	[hbm4b:s7+s1] =	stream.linear.scatter [tilespmem:s11], [sflag:$0x4], $0x2000, $0x38;
	[tilespmem:$0x108A0] =	vst v63  }
0x5a: {  	_ =	swait.ge [sflag:s12], $0x2000  }
0x5b: {  	[sflag:s12] =	ssyncset.done $0x0  }
0x5c: {  	[sflag:s12] =	ssyncadd.s32 $0xFFFFE000  }
0x5d: {  	[hbm4b:s6+s1] =	stream.linear.scatter [tilespmem:s9], [sflag:$0x4], $0x2000, $0x38;
	[tilespmem:$0x108A0] =	vst v63  }
0x5e: {  	_ =	swait.ge [sflag:s12], $0x2000  }
0x5f: {  	[sflag:s12] =	ssyncset.done $0x0  }
0x60: {  	[sflag:s12] =	ssyncadd.s32 $0xFFFFE000  }
0x61: {  	[hbm4b:s3+s1] =	stream.linear.scatter [tilespmem:s10], [sflag:$0x4], $0x2000, $0x38;
	[tilespmem:$0x108A0] =	vst v63  }
0x62: {  	_ =	swait.ge [sflag:s5], $0x2000  }
0x63: {  	[sflag:s5] =	ssyncset.done $0x0  }
0x64: {  	[sflag:s5] =	ssyncadd.s32 $0xFFFFE000  }
0x65: {  	_ =	swait.ge [sflag:s5], $0x2000  }
0x66: {  	[sflag:s5] =	ssyncset.done $0x0  }
0x67: {  	[sflag:s5] =	ssyncadd.s32 $0xFFFFE000  }
0x68: {  	_ =	swait.ge [sflag:s5], $0x2000  }
0x69: {  	[sflag:s5] =	ssyncset.done $0x0  }
0x6a: {  	[sflag:s5] =	ssyncadd.s32 $0xFFFFE000  }
0x6b: {  	_ =	swait.ge [sflag:s5], $0x2000  }
0x6c: {  	[sflag:s5] =	ssyncset.done $0x0  }
0x6d: {  	[sflag:s5] =	ssyncadd.s32 $0xFFFFE000  }
0x6e: {  	_ =	swait.ge [sflag:s5], $0x2000  }
0x6f: {  	[sflag:s5] =	ssyncset.done $0x0  }
0x70: {  	[sflag:s5] =	ssyncadd.s32 $0xFFFFE000  }
0x71: {  	_ =	swait.ge [sflag:s5], $0x2000  }
0x72: {  	[sflag:s5] =	ssyncset.done $0x0  }
0x73: {  	[sflag:s5] =	ssyncadd.s32 $0xFFFFE000  }
0x74: {  	_ =	swait.ge [sflag:s5], $0x2000  }
0x75: {  	s22 =	rddreg [dreg:$0x10]  }
0x76: {  	s31 =	sadd.s32 $0xFFFFFFFF, s22  }
0x77: {  	p2 =	sne.s32 s31, $0x0  }
.Ltmp1:
0x78: {  	_ = 	snop;
	(pc) =	sbr.rel @!p2 .LBB2_3-.Ltmp1, $4  }
0x79: {  	[sflag:s5] =	ssyncset.done $0x0  }
0x7a: {  	s25 =	simm.s32 $0x280;
	[sflag:s5] =	ssyncadd.s32 $0xFFFFE000  }
0x7b: {  	p1 =	por $0x1, $0x1;
	s23 =	simm.s32 $0x300;
	_ =	swait.ge [sflag:s5], $0x2000  }
0x7c: {  	s24 =	simm.s32 $0x380;
	s0 =	rddreg [dreg:$0xa];
	[sflag:s5] =	ssyncset.done $0x0  }
.LBB2_4:
0x7d: {  	s21 =	rddreg [dreg:$0x8];
	[sflag:s5] =	ssyncadd.s32 $0xFFFFE000  }
0x7e: {  	[tilespmem:s1], [sflag:$0x1] =	stream.linear.gather [hbm4b:s0+s1], $0x200, $0x38;
	[tilespmem:$0x108A0] =	vst v63  }
0x7f: {  	s22 =	rddreg [dreg:$0xb]  }
0x80: {  	[tilespmem:s18], [sflag:$0x1] =	stream.linear.gather [hbm4b:s22+s1], $0x200, $0x38;
	[tilespmem:$0x108A0] =	vst v63  }
0x81: {  	[spmem:s28], [sflag:s29] =	dma.local @!p0 [hbm:s21], $0x900  }
0x82: {  	s0 =	rddreg [dreg:$0x9]  }
0x83: {  	[spmem:s26], [sflag:s29] =	dma.local @!p0 [hbm:s0], $0x38  }
0x84: {  	_ =	swait.ge @!p0 [sflag:s30], $0x900  }
0x85: {  	[sflag:s30] =	ssyncset.done @!p0 $0x0  }
0x86: {  	[sflag:s30] =	ssyncadd.s32 @!p0 $0xFFFFF700  }
0x87: {  	_ =	swait.ge @!p0 [sflag:s30], $0x38  }
0x88: {  	[sflag:s30] =	ssyncset.done @!p0 $0x0  }
0x89: {  	[sflag:s30] =	ssyncadd.s32 @!p0 $0xFFFFFFC8  }
0x8a: {  	[bflag:$0x0] =	sbarrier.arrive $0xFFFF  }
0x8b: {  	_ =	swait.ge [sflag:s20], $0x200  }
0x8c: {  	[sflag:s20] =	ssyncset.done $0x0  }
0x8d: {  	[sflag:s20] =	ssyncadd.s32 $0xFFFFFE00  }
0x8e: {  	_ =	swait.ge [sflag:s20], $0x200  }
0x8f: {  	[sflag:s20] =	ssyncset.done $0x0  }
0x90: {  	[sflag:s20] =	ssyncadd.s32 $0xFFFFFE00  }
0x91: {  	[tilespmem:s17], [sflag:$0x3] =	stream.indirect.gather [spmem:s4], $0x40, s1, s19, $0xb8;
	[tilespmem:$0x108A0] =	vst v63  }
0x92: {  	_ = 	snop  }
0x93: {  	[tilespmem:s16], [sflag:$0x3] =	stream.indirect.gather [spmem:s4], $0x40, s19, s19, $0xb8;
	[tilespmem:$0x108A0] =	vst v63  }
0x94: {  	s22 =	simm.s32 $0x100  }
0x95: {  	[tilespmem:s15], [sflag:$0x3] =	stream.indirect.gather [spmem:s4], $0x40, s22, s19, $0xb8;
	[tilespmem:$0x108A0] =	vst v63  }
0x96: {  	s22 =	simm.s32 $0x180  }
0x97: {  	[tilespmem:s14], [sflag:$0x3] =	stream.indirect.gather [spmem:s4], $0x40, s22, s19, $0xb8;
	[tilespmem:$0x108A0] =	vst v63  }
0x98: {  	_ = 	snop  }
0x99: {  	[tilespmem:s13], [sflag:$0x3] =	stream.indirect.gather [spmem:s2], $0x40, s18, s19, $0xb8;
	[tilespmem:$0x108A0] =	vst v63  }
0x9a: {  	_ = 	snop  }
0x9b: {  	[tilespmem:s11], [sflag:$0x3] =	stream.indirect.gather [spmem:s2], $0x40, s25, s19, $0xb8;
	[tilespmem:$0x108A0] =	vst v63  }
0x9c: {  	_ = 	snop  }
0x9d: {  	[tilespmem:s9], [sflag:$0x3] =	stream.indirect.gather [spmem:s2], $0x40, s23, s19, $0xb8;
	[tilespmem:$0x108A0] =	vst v63  }
0x9e: {  	_ = 	snop  }
0x9f: {  	[tilespmem:s10], [sflag:$0x3] =	stream.indirect.gather [spmem:s2], $0x40, s24, s19, $0xb8;
	[tilespmem:$0x108A0] =	vst v63  }
0xa0: {  	_ =	swait.ge [sflag:s12], $0x2000  }
0xa1: {  	[sflag:s12] =	ssyncset.done $0x0  }
0xa2: {  	s21 =	rddreg [dreg:$0xc];
	[sflag:s12] =	ssyncadd.s32 $0xFFFFE000  }
0xa3: {  	[hbm4b:s21+s1] =	stream.linear.scatter [tilespmem:s17], [sflag:$0x4], $0x2000, $0x38;
	[tilespmem:$0x108A0] =	vst v63  }
0xa4: {  	_ =	swait.ge [sflag:s12], $0x2000  }
0xa5: {  	[sflag:s12] =	ssyncset.done $0x0  }
0xa6: {  	s22 =	rddreg [dreg:$0xd];
	[sflag:s12] =	ssyncadd.s32 $0xFFFFE000  }
0xa7: {  	[hbm4b:s22+s1] =	stream.linear.scatter [tilespmem:s16], [sflag:$0x4], $0x2000, $0x38;
	[tilespmem:$0x108A0] =	vst v63  }
0xa8: {  	_ =	swait.ge [sflag:s12], $0x2000  }
0xa9: {  	[sflag:s12] =	ssyncset.done $0x0  }
0xaa: {  	s21 =	rddreg [dreg:$0xe];
	[sflag:s12] =	ssyncadd.s32 $0xFFFFE000  }
0xab: {  	[hbm4b:s21+s1] =	stream.linear.scatter [tilespmem:s15], [sflag:$0x4], $0x2000, $0x38;
	[tilespmem:$0x108A0] =	vst v63  }
0xac: {  	_ =	swait.ge [sflag:s12], $0x2000  }
0xad: {  	[sflag:s12] =	ssyncset.done $0x0  }
0xae: {  	s22 =	rddreg [dreg:$0xf];
	[sflag:s12] =	ssyncadd.s32 $0xFFFFE000  }
0xaf: {  	[hbm4b:s22+s1] =	stream.linear.scatter [tilespmem:s14], [sflag:$0x4], $0x2000, $0x38;
	[tilespmem:$0x108A0] =	vst v63  }
0xb0: {  	_ =	swait.ge [sflag:s12], $0x2000  }
0xb1: {  	[sflag:s12] =	ssyncset.done $0x0  }
0xb2: {  	[sflag:s12] =	ssyncadd.s32 $0xFFFFE000  }
0xb3: {  	[hbm4b:s8+s1] =	stream.linear.scatter [tilespmem:s13], [sflag:$0x4], $0x2000, $0x38;
	[tilespmem:$0x108A0] =	vst v63  }
0xb4: {  	_ =	swait.ge [sflag:s12], $0x2000  }
0xb5: {  	[sflag:s12] =	ssyncset.done $0x0  }
0xb6: {  	[sflag:s12] =	ssyncadd.s32 $0xFFFFE000  }
0xb7: {  	[hbm4b:s7+s1] =	stream.linear.scatter [tilespmem:s11], [sflag:$0x4], $0x2000, $0x38;
	[tilespmem:$0x108A0] =	vst v63  }
0xb8: {  	_ =	swait.ge [sflag:s12], $0x2000  }
0xb9: {  	[sflag:s12] =	ssyncset.done $0x0  }
0xba: {  	[sflag:s12] =	ssyncadd.s32 $0xFFFFE000  }
0xbb: {  	[hbm4b:s6+s1] =	stream.linear.scatter [tilespmem:s9], [sflag:$0x4], $0x2000, $0x38;
	[tilespmem:$0x108A0] =	vst v63  }
0xbc: {  	_ =	swait.ge [sflag:s12], $0x2000  }
0xbd: {  	[sflag:s12] =	ssyncset.done $0x0  }
0xbe: {  	[sflag:s12] =	ssyncadd.s32 $0xFFFFE000  }
0xbf: {  	[hbm4b:s3+s1] =	stream.linear.scatter [tilespmem:s10], [sflag:$0x4], $0x2000, $0x38;
	[tilespmem:$0x108A0] =	vst v63  }
0xc0: {  	_ =	swait.ge [sflag:s5], $0x2000  }
0xc1: {  	[sflag:s5] =	ssyncset.done $0x0  }
0xc2: {  	[sflag:s5] =	ssyncadd.s32 $0xFFFFE000  }
0xc3: {  	_ =	swait.ge [sflag:s5], $0x2000  }
0xc4: {  	[sflag:s5] =	ssyncset.done $0x0  }
0xc5: {  	[sflag:s5] =	ssyncadd.s32 $0xFFFFE000  }
0xc6: {  	_ =	swait.ge [sflag:s5], $0x2000  }
0xc7: {  	[sflag:s5] =	ssyncset.done $0x0  }
0xc8: {  	[sflag:s5] =	ssyncadd.s32 $0xFFFFE000  }
0xc9: {  	_ =	swait.ge [sflag:s5], $0x2000  }
0xca: {  	[sflag:s5] =	ssyncset.done $0x0  }
0xcb: {  	[sflag:s5] =	ssyncadd.s32 $0xFFFFE000  }
0xcc: {  	_ =	swait.ge [sflag:s5], $0x2000  }
0xcd: {  	[sflag:s5] =	ssyncset.done $0x0  }
0xce: {  	[sflag:s5] =	ssyncadd.s32 $0xFFFFE000  }
0xcf: {  	_ =	swait.ge [sflag:s5], $0x2000  }
0xd0: {  	s31 =	sadd.s32 $0xFFFFFFFF, s31;
	[sflag:s5] =	ssyncset.done $0x0  }
0xd1: {  	p2 =	sne.s32 s31, $0x0;
	[sflag:s5] =	ssyncadd.s32 $0xFFFFE000  }
.Ltmp2:
0xd2: {  	_ =	swait.ge [sflag:s5], $0x2000;
	(pc) =	sbr.rel @p2 .LBB2_4-.Ltmp2, $4  }
0xd3: {  	[sflag:s5] =	ssyncset.done $0x0  }
0xd4: {  	[sflag:s5] =	ssyncadd.s32 $0xFFFFE000  }
0xd5: {  	_ =	swait.ge [sflag:s5], $0x2000  }
0xd6: {  	s0 =	rddreg [dreg:$0xa];
	[sflag:s5] =	ssyncset.done $0x0  }
0xd7: {  	s29 =	simm.s32 $0x100;
	s22 =	rddreg [dreg:$0x7];
	s23 =	simm.s32 $0x180  }
0xd8: {  	s24 =	simm.s32 $0x280;
	s25 =	simm.s32 $0x300;
	s30 =	simm.s32 $0x380  }
.LBB2_6:
0xd9: {  	[sflag:s5] =	ssyncadd.s32 @p1 $0xFFFFE000  }
0xda: {  	[tilespmem:s1], [sflag:$0x1] =	stream.linear.gather [hbm4b:s0+s1], $0x200, $0x38;
	[tilespmem:$0x108A0] =	vst v63  }
0xdb: {  	s21 =	rddreg [dreg:$0xb]  }
0xdc: {  	[tilespmem:s18], [sflag:$0x1] =	stream.linear.gather [hbm4b:s21+s1], $0x200, $0x38;
	[tilespmem:$0x108A0] =	vst v63  }
0xdd: {  	s0 =	rddreg [dreg:$0x8];
	s21 =	simm.s32 @!p0 $0x1C02  }
0xde: {  	[spmem:s28], [sflag:s21] =	dma.local @!p0 [hbm:s0], $0x900  }
0xdf: {  	s0 =	rddreg [dreg:$0x9]  }
0xe0: {  	[spmem:s26], [sflag:s21] =	dma.local @!p0 [hbm:s0], $0x38  }
0xe1: {  	s0 =	simm.s32 @!p0 $0x2  }
0xe2: {  	_ =	swait.ge @!p0 [sflag:s0], $0x900  }
0xe3: {  	[sflag:s0] =	ssyncset.done @!p0 $0x0  }
0xe4: {  	[sflag:s0] =	ssyncadd.s32 @!p0 $0xFFFFF700  }
0xe5: {  	_ =	swait.ge @!p0 [sflag:s0], $0x38  }
0xe6: {  	[sflag:s0] =	ssyncset.done @!p0 $0x0  }
0xe7: {  	[sflag:s0] =	ssyncadd.s32 @!p0 $0xFFFFFFC8  }
0xe8: {  	[bflag:$0x0] =	sbarrier.arrive $0xFFFF  }
0xe9: {  	_ =	swait.ge [sflag:s20], $0x200  }
0xea: {  	[sflag:s20] =	ssyncset.done $0x0  }
0xeb: {  	[sflag:s20] =	ssyncadd.s32 $0xFFFFFE00  }
0xec: {  	_ =	swait.ge [sflag:s20], $0x200  }
0xed: {  	[sflag:s20] =	ssyncset.done $0x0  }
0xee: {  	[sflag:s20] =	ssyncadd.s32 $0xFFFFFE00  }
0xef: {  	[tilespmem:s17], [sflag:$0x3] =	stream.indirect.gather [spmem:s4], $0x40, s1, s19, $0xb8;
	[tilespmem:$0x108A0] =	vst v63  }
0xf0: {  	_ = 	snop  }
0xf1: {  	[tilespmem:s16], [sflag:$0x3] =	stream.indirect.gather [spmem:s4], $0x40, s19, s19, $0xb8;
	[tilespmem:$0x108A0] =	vst v63  }
0xf2: {  	_ = 	snop  }
0xf3: {  	[tilespmem:s15], [sflag:$0x3] =	stream.indirect.gather [spmem:s4], $0x40, s29, s19, $0xb8;
	[tilespmem:$0x108A0] =	vst v63  }
0xf4: {  	_ = 	snop  }
0xf5: {  	[tilespmem:s14], [sflag:$0x3] =	stream.indirect.gather [spmem:s4], $0x40, s23, s19, $0xb8;
	[tilespmem:$0x108A0] =	vst v63  }
0xf6: {  	_ = 	snop  }
0xf7: {  	[tilespmem:s13], [sflag:$0x3] =	stream.indirect.gather [spmem:s2], $0x40, s18, s19, $0xb8;
	[tilespmem:$0x108A0] =	vst v63  }
0xf8: {  	_ = 	snop  }
0xf9: {  	[tilespmem:s11], [sflag:$0x3] =	stream.indirect.gather [spmem:s2], $0x40, s24, s19, $0xb8;
	[tilespmem:$0x108A0] =	vst v63  }
0xfa: {  	_ = 	snop  }
0xfb: {  	[tilespmem:s9], [sflag:$0x3] =	stream.indirect.gather [spmem:s2], $0x40, s25, s19, $0xb8;
	[tilespmem:$0x108A0] =	vst v63  }
0xfc: {  	_ = 	snop  }
0xfd: {  	[tilespmem:s10], [sflag:$0x3] =	stream.indirect.gather [spmem:s2], $0x40, s30, s19, $0xb8;
	[tilespmem:$0x108A0] =	vst v63  }
0xfe: {  	_ =	swait.ge [sflag:s12], $0x2000  }
0xff: {  	[sflag:s12] =	ssyncset.done $0x0  }
0x100: {  	s28 =	rddreg [dreg:$0xc];
	[sflag:s12] =	ssyncadd.s32 $0xFFFFE000  }
0x101: {  	[hbm4b:s28+s1] =	stream.linear.scatter [tilespmem:s17], [sflag:$0x4], $0x2000, $0x38;
	[tilespmem:$0x108A0] =	vst v63  }
0x102: {  	_ =	swait.ge [sflag:s12], $0x2000  }
0x103: {  	[sflag:s12] =	ssyncset.done $0x0  }
0x104: {  	s29 =	rddreg [dreg:$0xd];
	[sflag:s12] =	ssyncadd.s32 $0xFFFFE000  }
0x105: {  	[hbm4b:s29+s1] =	stream.linear.scatter [tilespmem:s16], [sflag:$0x4], $0x2000, $0x38;
	[tilespmem:$0x108A0] =	vst v63  }
0x106: {  	_ =	swait.ge [sflag:s12], $0x2000  }
0x107: {  	[sflag:s12] =	ssyncset.done $0x0  }
0x108: {  	s30 =	rddreg [dreg:$0xe];
	[sflag:s12] =	ssyncadd.s32 $0xFFFFE000  }
0x109: {  	[hbm4b:s30+s1] =	stream.linear.scatter [tilespmem:s15], [sflag:$0x4], $0x2000, $0x38;
	[tilespmem:$0x108A0] =	vst v63  }
0x10a: {  	_ =	swait.ge [sflag:s12], $0x2000  }
0x10b: {  	[sflag:s12] =	ssyncset.done $0x0  }
0x10c: {  	s31 =	rddreg [dreg:$0xf];
	[sflag:s12] =	ssyncadd.s32 $0xFFFFE000  }
0x10d: {  	[hbm4b:s31+s1] =	stream.linear.scatter [tilespmem:s14], [sflag:$0x4], $0x2000, $0x38;
	[tilespmem:$0x108A0] =	vst v63  }
0x10e: {  	_ =	swait.ge [sflag:s12], $0x2000  }
0x10f: {  	[sflag:s12] =	ssyncset.done $0x0  }
0x110: {  	[sflag:s12] =	ssyncadd.s32 $0xFFFFE000  }
0x111: {  	[hbm4b:s8+s1] =	stream.linear.scatter [tilespmem:s13], [sflag:$0x4], $0x2000, $0x38;
	[tilespmem:$0x108A0] =	vst v63  }
0x112: {  	_ =	swait.ge [sflag:s12], $0x2000  }
0x113: {  	[sflag:s12] =	ssyncset.done $0x0  }
0x114: {  	[sflag:s12] =	ssyncadd.s32 $0xFFFFE000  }
0x115: {  	[hbm4b:s7+s1] =	stream.linear.scatter [tilespmem:s11], [sflag:$0x4], $0x2000, $0x38;
	[tilespmem:$0x108A0] =	vst v63  }
0x116: {  	_ =	swait.ge [sflag:s12], $0x2000  }
0x117: {  	[sflag:s12] =	ssyncset.done $0x0  }
0x118: {  	[sflag:s12] =	ssyncadd.s32 $0xFFFFE000  }
0x119: {  	[hbm4b:s6+s1] =	stream.linear.scatter [tilespmem:s9], [sflag:$0x4], $0x2000, $0x38;
	[tilespmem:$0x108A0] =	vst v63  }
0x11a: {  	_ =	swait.ge [sflag:s12], $0x2000  }
0x11b: {  	[sflag:s12] =	ssyncset.done $0x0  }
0x11c: {  	[sflag:s12] =	ssyncadd.s32 $0xFFFFE000  }
0x11d: {  	[hbm4b:s3+s1] =	stream.linear.scatter [tilespmem:s10], [sflag:$0x4], $0x2000, $0x38;
	[tilespmem:$0x108A0] =	vst v63  }
0x11e: {  	_ =	swait.ge [sflag:s5], $0x2000  }
0x11f: {  	[sflag:s5] =	ssyncset.done $0x0  }
0x120: {  	[sflag:s5] =	ssyncadd.s32 $0xFFFFE000  }
0x121: {  	_ =	swait.ge [sflag:s5], $0x2000  }
0x122: {  	[sflag:s5] =	ssyncset.done $0x0  }
0x123: {  	[sflag:s5] =	ssyncadd.s32 $0xFFFFE000  }
0x124: {  	_ =	swait.ge [sflag:s5], $0x2000  }
0x125: {  	[sflag:s5] =	ssyncset.done $0x0  }
0x126: {  	[sflag:s5] =	ssyncadd.s32 $0xFFFFE000  }
0x127: {  	_ =	swait.ge [sflag:s5], $0x2000  }
0x128: {  	[sflag:s5] =	ssyncset.done $0x0  }
0x129: {  	[sflag:s5] =	ssyncadd.s32 $0xFFFFE000  }
0x12a: {  	_ =	swait.ge [sflag:s5], $0x2000  }
0x12b: {  	[sflag:s5] =	ssyncset.done $0x0  }
0x12c: {  	[sflag:s5] =	ssyncadd.s32 $0xFFFFE000  }
0x12d: {  	_ =	swait.ge [sflag:s5], $0x2000  }
0x12e: {  	[sflag:s5] =	ssyncset.done $0x0  }
0x12f: {  	[sflag:s5] =	ssyncadd.s32 $0xFFFFE000  }
0x130: {  	_ =	swait.ge [sflag:s5], $0x2000  }
0x131: {  	[sflag:s5] =	ssyncset.done $0x0  }
0x132: {  	[sflag:s5] =	ssyncadd.s32 $0xFFFFE000  }
0x133: {  	_ =	swait.ge [sflag:s5], $0x2000  }
0x134: {  	[sflag:s5] =	ssyncset.done $0x0  }
0x135: {  	[sflag:s5] =	ssyncadd.s32 $0xFFFFE000  }
0x136: {  	_ =	sfence.sel $0x180000  }
0x137: {  	[bflag:$0x0] =	sbarrier.arrive $0xFFFF  }
0x138: {  	_ =	strace $0x90000047  }
0x139: {  	s0 =	sadd.s32 @!p0 $0x100000, s22;
	[bflag:$0x2] =	sbarrier.arrive $0xFFFF  }
0x13a: {  	[sflag:s0] =	ssyncadd.tile.s32 @!p0 $0x1;
	_ =	shalt  }
.LBB2_1:
.Ltmp3:
0x13b: {  	(pc) =	sbr.rel .LBB2_6-.Ltmp3, $2  }
0x13c: {  	_ =	sdelay $0x2  }
0x13d: {  	s29 =	simm.s32 $0x100  }
.LBB2_3:
.Ltmp4:
0x13e: {  	(pc) =	sbr.rel .LBB2_6-.Ltmp4, $3  }
0x13f: {  	_ =	sdelay $0x1  }
0x140: {  	s29 =	simm.s32 $0x100;
	s22 =	rddreg [dreg:$0x7];
	s23 =	simm.s32 $0x180  }
0x141: {  	s24 =	simm.s32 $0x280;
	s25 =	simm.s32 $0x300;
	s30 =	simm.s32 $0x380  }
.Lfunc_end2:
_tile_overlayer_lowered:
.L_overlay_start_2:
0x142: {  	(tag) =	ssettag $0x2  }
0x143: {  	s0 =	rddreg [dreg:$0x0];
	s2 =	stileid.u32  }
0x144: {  	s1 =	rddreg [dreg:$0x1];
	p0 =	sne.s32 s2, $0x0  }
0x145: {  	s3 =	rddreg [dreg:$0x2];
	[bflag:$0x3] =	sbarrier.arrive $0xFFFF;
	s2 =	simm.s32 @!p0 $0x1C05  }
0x146: {  	[timem:s3], [sflag:s2] =	dma.local @!p0 [hbm:s0], s1  }
0x147: {  	s0 =	simm.s32 @!p0 $0x5  }
0x148: {  	_ =	swait.ge @!p0 [sflag:s0], s1  }
0x149: {  	s1 =	ssub.s32 @!p0 $0x0, s1;
	[sflag:s0] =	ssyncset.done @!p0 $0x0  }
0x14a: {  	[sflag:s0] =	ssyncadd.s32 @!p0 s1  }
0x14b: {  	[bflag:$0x3] =	sbarrier.arrive $0xFFFF  }
0x14c: {  	_ =	shalt  }

</sc_bundles>
